<compile_context>
chip_gen: v7x
topology: tpu7x:2x2x1
jax: 0.10.2.dev20260603
libtpu: 0.0.44.dev20260713+nightly
codegen_flags: <defaults>
</compile_context>

<pallas_src>
import functools

import jax
import jax.numpy as jnp
from jax import lax
from jax.experimental import pallas as pl
from jax.experimental.pallas import tpu as pltpu
from jax.experimental.pallas import tpu_sc as plsc

N = 10000
E = 320000
D = 128
G = 256

NC = 2
NS = 16
NW = NC * NS

NPAD = 10240
TRASH_N = NPAD - 1

EPT = E // NW
ECH = 80
ECHX = ECH + 2

NPT = NPAD // NS


def _tile_id():
    return lax.axis_index("c") * NS + lax.axis_index("s")



def _deg_body(dst_idx, ones16, z16, deg_out, idx_v, ones_v, deg_sh):
    c = lax.axis_index("c")
    s = lax.axis_index("s")
    w = _tile_id()
    pltpu.sync_copy(z16.at[pl.ds(s * NPT, NPT)], deg_sh.at[pl.ds(s * NPT, NPT)])
    pltpu.sync_copy(ones16, ones_v)
    pltpu.sync_copy(dst_idx.at[w], idx_v)
    plsc.subcore_barrier()

    def chunk(i, carry):
        pltpu.sync_copy(ones_v, deg_sh.at[idx_v.at[i]], add=True)
        return carry

    lax.fori_loop(0, ECH, chunk, 0)
    plsc.subcore_barrier()
    pltpu.sync_copy(deg_sh.at[pl.ds(s * NPT, NPT)],
                    deg_out.at[c, pl.ds(s * NPT, NPT)])


def _sc_degrees(dst_idx, ones16, z16):
    mesh = plsc.VectorSubcoreMesh(core_axis_name="c", subcore_axis_name="s")
    fn = pl.kernel(
        _deg_body,
        out_type=jax.ShapeDtypeStruct((NC, NPAD, 16), jnp.float32),
        mesh=mesh,
        scratch_types=[
            pltpu.VMEM((ECHX, 128), jnp.int32),
            pltpu.VMEM((128, 16), jnp.float32),
            pltpu.VMEM_SHARED((NPAD, 16), jnp.float32),
        ],
        compiler_params=pltpu.CompilerParams(use_tc_tiling_on_sc=False),
    )
    return fn(dst_idx, ones16, z16)



def _gs_body(src_idx, dst_idx, table, zrows, agg_out,
             sidx_v, didx_v, rows_v, acc_sh, sem0):
    c = lax.axis_index("c")
    s = lax.axis_index("s")
    w = _tile_id()
    pltpu.sync_copy(zrows.at[pl.ds(s * NPT, NPT)],
                    acc_sh.at[pl.ds(s * NPT, NPT)])
    pltpu.sync_copy(src_idx.at[w], sidx_v)
    pltpu.sync_copy(dst_idx.at[w], didx_v)
    plsc.subcore_barrier()

    def chunk(i, carry):
        pltpu.async_copy(table.at[sidx_v.at[i]], rows_v, sem0).wait()
        pltpu.sync_copy(rows_v, acc_sh.at[didx_v.at[i]], add=True)
        return carry

    lax.fori_loop(0, ECH, chunk, 0)
    plsc.subcore_barrier()
    pltpu.sync_copy(acc_sh.at[pl.ds(s * NPT, NPT)],
                    agg_out.at[c, pl.ds(s * NPT, NPT)])


def _sc_gather_scatter(src_idx, dst_idx, table, zrows):
    mesh = plsc.VectorSubcoreMesh(core_axis_name="c", subcore_axis_name="s")
    fn = pl.kernel(
        _gs_body,
        out_type=jax.ShapeDtypeStruct((NC, NPAD, 64), jnp.float32),
        mesh=mesh,
        scratch_types=[
            pltpu.VMEM((ECHX, 128), jnp.int32),
            pltpu.VMEM((ECHX, 128), jnp.int32),
            pltpu.VMEM((128, 64), jnp.float32),
            pltpu.VMEM_SHARED((NPAD, 64), jnp.float32),
            pltpu.SemaphoreType.DMA,
        ],
        compiler_params=pltpu.CompilerParams(use_tc_tiling_on_sc=False),
    )
    return fn(src_idx, dst_idx, table, zrows)



def _dinv_block(degb):
    deg = degb[0, :, 0] + degb[1, :, 0] + 1.0
    return lax.rsqrt(deg)[:, None]


def _tc1_body(xb, w1, degb, ob):
    h = jnp.dot(xb[...], w1[...], preferred_element_type=jnp.float32)
    ob[...] = h * _dinv_block(degb[...])


def _tc_pre(x_pad, W1, deg_part):
    return pl.pallas_call(
        _tc1_body,
        grid=(NPAD // 256,),
        in_specs=[
            pl.BlockSpec((256, D), lambda i: (i, 0)),
            pl.BlockSpec((D, 64), lambda i: (0, 0)),
            pl.BlockSpec((NC, 256, 16), lambda i: (0, i, 0)),
        ],
        out_specs=pl.BlockSpec((256, 64), lambda i: (i, 0)),
        out_shape=jax.ShapeDtypeStruct((NPAD, 64), jnp.float32),
    )(x_pad, W1, deg_part)


def _tc2_body(aggb, hsb, degb, b1, w2, ob):
    dinv = _dinv_block(degb[...])
    h1 = jnp.maximum((aggb[0] + aggb[1] + hsb[...]) * dinv + b1[...], 0.0)
    ob[...] = jnp.dot(h1, w2[...], preferred_element_type=jnp.float32) * dinv


def _tc_mid(agg1, hs1, deg_part, b1r, W2):
    return pl.pallas_call(
        _tc2_body,
        grid=(NPAD // 256,),
        in_specs=[
            pl.BlockSpec((NC, 256, 64), lambda i: (0, i, 0)),
            pl.BlockSpec((256, 64), lambda i: (i, 0)),
            pl.BlockSpec((NC, 256, 16), lambda i: (0, i, 0)),
            pl.BlockSpec((1, 64), lambda i: (0, 0)),
            pl.BlockSpec((64, 64), lambda i: (0, 0)),
        ],
        out_specs=pl.BlockSpec((256, 64), lambda i: (i, 0)),
        out_shape=jax.ShapeDtypeStruct((NPAD, 64), jnp.float32),
    )(agg1, hs1, deg_part, b1r, W2)


def _tc3_body(aggb, hsb, degb, b2, batchb, sums_ob, cnts_ob):
    i = pl.program_id(0)
    dinv = _dinv_block(degb[...])
    h2 = jnp.maximum((aggb[0] + aggb[1] + hsb[...]) * dinv + b2[...], 0.0)
    gids = lax.broadcasted_iota(jnp.int32, (G, 256), 0)
    oh = (gids == batchb[0]).astype(jnp.float32)

    @pl.when(i == 0)
    def _():
        sums_ob[...] = jnp.zeros_like(sums_ob)
        cnts_ob[...] = jnp.zeros_like(cnts_ob)

    sums_ob[...] += jnp.dot(oh, h2, preferred_element_type=jnp.float32)
    cnts_ob[...] += jnp.sum(oh, axis=1, keepdims=True)


def _tc_post_pool(agg2, hs2, deg_part, b2r, batch2d):
    return pl.pallas_call(
        _tc3_body,
        grid=(NPAD // 256,),
        in_specs=[
            pl.BlockSpec((NC, 256, 64), lambda i: (0, i, 0)),
            pl.BlockSpec((256, 64), lambda i: (i, 0)),
            pl.BlockSpec((NC, 256, 16), lambda i: (0, i, 0)),
            pl.BlockSpec((1, 64), lambda i: (0, 0)),
            pl.BlockSpec((1, 1, 256), lambda i: (i, 0, 0)),
        ],
        out_specs=[
            pl.BlockSpec((G, 64), lambda i: (0, 0)),
            pl.BlockSpec((G, 1), lambda i: (0, 0)),
        ],
        out_shape=[
            jax.ShapeDtypeStruct((G, 64), jnp.float32),
            jax.ShapeDtypeStruct((G, 1), jnp.float32),
        ],
    )(agg2, hs2, deg_part, b2r, batch2d)


def _tc4_body(sumb, cntb, wf1, bf1, wf2, bf2, ob):
    emb = sumb[...] / jnp.maximum(cntb[...], 1.0)
    h = jnp.maximum(
        jnp.dot(emb, wf1[...], preferred_element_type=jnp.float32) + bf1[...],
        0.0)
    z = jnp.dot(h, wf2[...], preferred_element_type=jnp.float32) + bf2[...]
    ob[...] = 1.0 / (1.0 + jnp.exp(-z))


def _tc_head(sums, cnts, Wf1p, bf1p, Wf2p, bf2p):
    return pl.pallas_call(
        _tc4_body,
        grid=(1,),
        in_specs=[
            pl.BlockSpec((G, 64), lambda i: (0, 0)),
            pl.BlockSpec((G, 1), lambda i: (0, 0)),
            pl.BlockSpec((64, 128), lambda i: (0, 0)),
            pl.BlockSpec((1, 128), lambda i: (0, 0)),
            pl.BlockSpec((128, 128), lambda i: (0, 0)),
            pl.BlockSpec((1, 128), lambda i: (0, 0)),
        ],
        out_specs=pl.BlockSpec((G, 128), lambda i: (0, 0)),
        out_shape=jax.ShapeDtypeStruct((G, 128), jnp.float32),
    )(sums, cnts, Wf1p, bf1p, Wf2p, bf2p)



def kernel(x, edge_index, batch, W1, b1, W2, b2, Wf1, bf1, Wf2, bf2):
    i32 = jnp.int32
    src2 = edge_index[0].astype(i32).reshape(NW, EPT)
    dst2 = edge_index[1].astype(i32).reshape(NW, EPT)
    pad = jnp.full((NW, ECHX * 128 - EPT), TRASH_N, dtype=i32)
    src_idx = jnp.concatenate([src2, pad], axis=1).reshape(NW, ECHX, 128)
    dst_idx = jnp.concatenate([dst2, pad], axis=1).reshape(NW, ECHX, 128)

    z16 = jnp.zeros((NPAD, 16), jnp.float32)
    z64 = jnp.zeros((NPAD, 64), jnp.float32)
    ones16 = jnp.ones((128, 16), jnp.float32)
    x_pad = jnp.concatenate(
        [x, jnp.zeros((NPAD - N, D), jnp.float32)], axis=0)
    batch2d = jnp.concatenate(
        [batch.astype(i32), jnp.full((NPAD - N,), G, dtype=i32)]
    ).reshape(NPAD // 256, 1, 256)

    deg_part = _sc_degrees(dst_idx, ones16, z16)

    hs1 = _tc_pre(x_pad, W1, deg_part)
    agg1 = _sc_gather_scatter(src_idx, dst_idx, hs1, z64)
    hs2 = _tc_mid(agg1, hs1, deg_part, b1.reshape(1, 64), W2)
    agg2 = _sc_gather_scatter(src_idx, dst_idx, hs2, z64)
    sums, cnts = _tc_post_pool(agg2, hs2, deg_part, b2.reshape(1, 64),
                               batch2d)

    Wf1p = jnp.zeros((64, 128), jnp.float32).at[:, :32].set(Wf1)
    bf1p = jnp.zeros((1, 128), jnp.float32).at[0, :32].set(bf1)
    Wf2p = jnp.zeros((128, 128), jnp.float32).at[:32, :1].set(Wf2)
    bf2p = jnp.zeros((1, 128), jnp.float32).at[0, 0].set(bf2[0])
    out = _tc_head(sums, cnts, Wf1p, bf1p, Wf2p, bf2p)
    return out[:, 0]

# --- scband reference (transcript-rebuilt; emitter-appended) ---
"""Pipeline reference for scband-gnndrug-interaction-model-79766132621709 (READ-ONLY COPY).

The authoritative reference and input builder live on the scoring server;
editing this copy changes nothing except your own understanding.
"""

import jax, jax.numpy as jnp
import numpy as np

N = 10000
E = 320000
D = 128
G = 256


def _init_linear(key, fan_in, fan_out):
    k1, k2 = jax.random.split(key)
    bound = 1.0 / np.sqrt(fan_in)
    W = jax.random.uniform(k1, (fan_in, fan_out), minval=-bound, maxval=bound, dtype=jnp.float32)
    b = jax.random.uniform(k2, (fan_out,), minval=-bound, maxval=bound, dtype=jnp.float32)
    return W, b


def setup_inputs(seed: int = 0) -> dict:
    key = jax.random.key(seed)
    ks = jax.random.split(key, 8)
    x = jax.random.normal(ks[0], (N, D), dtype=jnp.float32)
    edge_index = jax.random.randint(ks[1], (2, E), 0, N)
    batch = jnp.sort(jax.random.randint(ks[2], (N,), 0, G))
    W1, b1 = _init_linear(ks[3], D, 64)
    W2, b2 = _init_linear(ks[4], 64, 64)
    Wf1, bf1 = _init_linear(ks[5], 64, 32)
    Wf2, bf2 = _init_linear(ks[6], 32, 1)
    return {"x": x, "edge_index": edge_index, "batch": batch,
            "W1": W1, "b1": b1, "W2": W2, "b2": b2,
            "Wf1": Wf1, "bf1": bf1, "Wf2": Wf2, "bf2": bf2}


def _gcn_conv(x, edge_index, W, b):
    n = x.shape[0]
    src = edge_index[0]
    dst = edge_index[1]
    sl = jnp.arange(n, dtype=src.dtype)
    src = jnp.concatenate([src, sl])
    dst = jnp.concatenate([dst, sl])
    deg = jnp.zeros((n,), dtype=x.dtype).at[dst].add(1.0)
    dinv = jnp.where(deg > 0, deg ** -0.5, 0.0)
    norm = dinv[src] * dinv[dst]
    h = x @ W
    msg = h[src] * norm[:, None]
    out = jax.ops.segment_sum(msg, dst, num_segments=n)
    return out + b


def reference(x, edge_index, batch, W1, b1, W2, b2, Wf1, bf1, Wf2, bf2):
    h = jax.nn.relu(_gcn_conv(x, edge_index, W1, b1))
    h = jax.nn.relu(_gcn_conv(h, edge_index, W2, b2))
    sums = jax.ops.segment_sum(h, batch, num_segments=G)
    counts = jax.ops.segment_sum(jnp.ones((h.shape[0], 1), dtype=h.dtype), batch, num_segments=G)
    graph_emb = sums / jnp.clip(counts, 1.0)
    h = jax.nn.relu(graph_emb @ Wf1 + bf1)
    out = jax.nn.sigmoid(h @ Wf2 + bf2)
    return out.reshape(-1)

if __name__ == "__main__":
    import jax
    _d = setup_inputs()
    print(jax.jit(kernel)(*tuple(_d.values())))

</pallas_src>

<mosaic_0001>
#map = affine_map<(d0, d1) -> (0, 0, 0)>
#map1 = affine_map<(d0, d1) -> (0, 0)>
module attributes {stable_mosaic.version = 14 : i64} {
  func.func @_deg_body(%arg0: i32, %arg1: i32, %arg2: memref<32x82x128xi32, #tpu.memory_space<hbm>>, %arg3: memref<128x16xf32, #tpu.memory_space<hbm>>, %arg4: memref<10240x16xf32, #tpu.memory_space<hbm>>, %arg5: memref<2x10240x16xf32, #tpu.memory_space<hbm>>, %arg6: memref<82x128xi32, #tpu.memory_space<vmem>>, %arg7: memref<128x16xf32, #tpu.memory_space<vmem>>, %arg8: memref<10240x16xf32, #tpu.memory_space<vmem_shared>>) attributes {dimension_semantics = [#tpu.dimension_semantics<core_parallel>, #tpu.dimension_semantics<subcore_parallel>], iteration_bounds = array<i64: 2, 16>, scalar_prefetch = 0 : i64, scratch_operands = 3 : i64, tpu.core_type = #tpu.core_type<sc_vector_subcore>, window_params = [{transform_indices = #map}, {transform_indices = #map1}, {transform_indices = #map1}, {transform_indices = #map}]} {
    %mul3A = arith.constant 16 : i32
    %mul3A_0 = arith.muli %arg0, %mul3A : i32
    %add3A = arith.addi %mul3A_0, %arg1 : i32
    %mul3A_1 = arith.constant 640 : i32
    %mul3A_2 = arith.muli %arg1, %mul3A_1 : i32
    %mul3A_3 = arith.constant 640 : i32
    %mul3A_4 = arith.muli %arg1, %mul3A_3 : i32
    "tpu.region"() ({
      %run_scoped3A = tpu.sem_alloc : memref<!tpu.dma_semaphore, #tpu.memory_space<semaphore_mem>>
      %dma_start3A = arith.constant 0 : i32
      %dma_start3A_15 = tpu.memref_slice %arg8[%mul3A_4, %dma_start3A] : memref<10240x16xf32, #tpu.memory_space<vmem_shared>> -> memref<640x16xf32, #tpu.memory_space<vmem_shared>>
      %dma_start3A_16 = arith.constant 0 : i32
      %dma_start3A_17 = tpu.memref_slice %arg4[%mul3A_2, %dma_start3A_16] : memref<10240x16xf32, #tpu.memory_space<hbm>> -> memref<640x16xf32, #tpu.memory_space<hbm>>
      tpu.enqueue_dma source(%dma_start3A_17 : memref<640x16xf32, #tpu.memory_space<hbm>>) target(%dma_start3A_15 : memref<640x16xf32, #tpu.memory_space<vmem_shared>>) target_semaphore(%run_scoped3A : memref<!tpu.dma_semaphore, #tpu.memory_space<semaphore_mem>>)
      %dma_wait3A = arith.constant 0 : i32
      %dma_wait3A_18 = tpu.memref_slice %arg8[%mul3A_4, %dma_wait3A] : memref<10240x16xf32, #tpu.memory_space<vmem_shared>> -> memref<640x16xf32, #tpu.memory_space<vmem_shared>>
      %dma_wait3A_19 = arith.constant 0 : i32
      %dma_wait3A_20 = tpu.memref_slice %arg4[%mul3A_2, %dma_wait3A_19] : memref<10240x16xf32, #tpu.memory_space<hbm>> -> memref<640x16xf32, #tpu.memory_space<hbm>>
      tpu.wait_dma2 semaphore(%run_scoped3A : memref<!tpu.dma_semaphore, #tpu.memory_space<semaphore_mem>>) src(%dma_wait3A_20 : memref<640x16xf32, #tpu.memory_space<hbm>>) dst(%dma_wait3A_18 : memref<640x16xf32, #tpu.memory_space<vmem_shared>>)
      tpu.yield
    }) : () -> ()
    "tpu.region"() ({
      %run_scoped3A = tpu.sem_alloc : memref<!tpu.dma_semaphore, #tpu.memory_space<semaphore_mem>>
      tpu.enqueue_dma source(%arg3 : memref<128x16xf32, #tpu.memory_space<hbm>>) target(%arg7 : memref<128x16xf32, #tpu.memory_space<vmem>>) target_semaphore(%run_scoped3A : memref<!tpu.dma_semaphore, #tpu.memory_space<semaphore_mem>>)
      tpu.wait_dma2 semaphore(%run_scoped3A : memref<!tpu.dma_semaphore, #tpu.memory_space<semaphore_mem>>) src(%arg3 : memref<128x16xf32, #tpu.memory_space<hbm>>) dst(%arg7 : memref<128x16xf32, #tpu.memory_space<vmem>>)
      tpu.yield
    }) : () -> ()
    "tpu.region"() ({
      %run_scoped3A = tpu.sem_alloc : memref<!tpu.dma_semaphore, #tpu.memory_space<semaphore_mem>>
      %dma_start3A = arith.constant 0 : i32
      %dma_start3A_15 = arith.constant 0 : i32
      %dma_start3A_16 = tpu.memref_slice %arg2[%add3A, %dma_start3A, %dma_start3A_15] : memref<32x82x128xi32, #tpu.memory_space<hbm>> -> memref<1x82x128xi32, #tpu.memory_space<hbm>>
      %dma_start3A_17 = tpu.memref_squeeze %dma_start3A_16 : memref<1x82x128xi32, #tpu.memory_space<hbm>> -> memref<82x128xi32, #tpu.memory_space<hbm>>
      %dma_start3A_18 = arith.constant 0 : i32
      %dma_start3A_19 = arith.constant 0 : i32
      %dma_start3A_20 = tpu.memref_slice %arg2[%add3A, %dma_start3A_18, %dma_start3A_19] : memref<32x82x128xi32, #tpu.memory_space<hbm>> -> memref<1x82x128xi32, #tpu.memory_space<hbm>>
      %dma_start3A_21 = tpu.memref_squeeze %dma_start3A_20 : memref<1x82x128xi32, #tpu.memory_space<hbm>> -> memref<82x128xi32, #tpu.memory_space<hbm>>
      tpu.enqueue_dma source(%dma_start3A_21 : memref<82x128xi32, #tpu.memory_space<hbm>>) target(%arg6 : memref<82x128xi32, #tpu.memory_space<vmem>>) target_semaphore(%run_scoped3A : memref<!tpu.dma_semaphore, #tpu.memory_space<semaphore_mem>>)
      %dma_wait3A = arith.constant 0 : i32
      %dma_wait3A_22 = arith.constant 0 : i32
      %dma_wait3A_23 = tpu.memref_slice %arg2[%add3A, %dma_wait3A, %dma_wait3A_22] : memref<32x82x128xi32, #tpu.memory_space<hbm>> -> memref<1x82x128xi32, #tpu.memory_space<hbm>>
      %dma_wait3A_24 = tpu.memref_squeeze %dma_wait3A_23 : memref<1x82x128xi32, #tpu.memory_space<hbm>> -> memref<82x128xi32, #tpu.memory_space<hbm>>
      %dma_wait3A_25 = arith.constant 0 : i32
      %dma_wait3A_26 = arith.constant 0 : i32
      %dma_wait3A_27 = tpu.memref_slice %arg2[%add3A, %dma_wait3A_25, %dma_wait3A_26] : memref<32x82x128xi32, #tpu.memory_space<hbm>> -> memref<1x82x128xi32, #tpu.memory_space<hbm>>
      %dma_wait3A_28 = tpu.memref_squeeze %dma_wait3A_27 : memref<1x82x128xi32, #tpu.memory_space<hbm>> -> memref<82x128xi32, #tpu.memory_space<hbm>>
      tpu.wait_dma2 semaphore(%run_scoped3A : memref<!tpu.dma_semaphore, #tpu.memory_space<semaphore_mem>>) src(%dma_wait3A_28 : memref<82x128xi32, #tpu.memory_space<hbm>>) dst(%arg6 : memref<82x128xi32, #tpu.memory_space<vmem>>)
      tpu.yield
    }) : () -> ()
    %barrier3A = arith.constant 0 : index
    tpu.barrier barrier_id(%barrier3A)
    %scan3A = arith.constant 0 : i32
    %scan3A_5 = arith.constant 0 : i32
    %scan3A_6 = arith.constant 80 : i32
    %scan3A_7 = arith.addi %scan3A_5, %scan3A_6 : i32
    %scan3A_8 = arith.constant 1 : i32
    scf.for %scan3A_15 = %scan3A_5 to %scan3A_7 step %scan3A_8  : i32 {
      "tpu.region"() ({
        %run_scoped3A = tpu.sem_alloc : memref<!tpu.dma_semaphore, #tpu.memory_space<semaphore_mem>>
        %dma_start3A = arith.constant 0 : i32
        %dma_start3A_16 = tpu.memref_slice %arg6[%scan3A_15, %dma_start3A] : memref<82x128xi32, #tpu.memory_space<vmem>> -> memref<1x128xi32, #tpu.memory_space<vmem>>
        %dma_start3A_17 = tpu.memref_squeeze %dma_start3A_16 : memref<1x128xi32, #tpu.memory_space<vmem>> -> memref<128xi32, #tpu.memory_space<vmem>>
        %dma_start3A_18 = arith.constant 0 : i32
        %dma_start3A_19 = arith.constant 0 : i32
        %dma_start3A_20 = tpu.memref_slice %arg8[%dma_start3A_18, %dma_start3A_19] : memref<10240x16xf32, #tpu.memory_space<vmem_shared>> -> memref<10240x16xf32, #tpu.memory_space<vmem_shared>>
        tpu.enqueue_indirect_dma source(%arg7 : memref<128x16xf32, #tpu.memory_space<vmem>>) target(%dma_start3A_20 : memref<10240x16xf32, #tpu.memory_space<vmem_shared>>) offsets(%dma_start3A_17 : memref<128xi32, #tpu.memory_space<vmem>>) semaphore(%run_scoped3A : memref<!tpu.dma_semaphore, #tpu.memory_space<semaphore_mem>>) {add = true}
        %dma_wait3A = arith.constant 0 : i32
        %dma_wait3A_21 = tpu.memref_slice %arg6[%scan3A_15, %dma_wait3A] : memref<82x128xi32, #tpu.memory_space<vmem>> -> memref<1x128xi32, #tpu.memory_space<vmem>>
        %dma_wait3A_22 = tpu.memref_squeeze %dma_wait3A_21 : memref<1x128xi32, #tpu.memory_space<vmem>> -> memref<128xi32, #tpu.memory_space<vmem>>
        %dma_wait3A_23 = arith.constant 0 : i32
        %dma_wait3A_24 = arith.constant 0 : i32
        %dma_wait3A_25 = tpu.memref_slice %arg8[%dma_wait3A_23, %dma_wait3A_24] : memref<10240x16xf32, #tpu.memory_space<vmem_shared>> -> memref<10240x16xf32, #tpu.memory_space<vmem_shared>>
        tpu.wait_indirect_dma semaphore(%run_scoped3A : memref<!tpu.dma_semaphore, #tpu.memory_space<semaphore_mem>>) src(%arg7 : memref<128x16xf32, #tpu.memory_space<vmem>>) dst(%dma_wait3A_25 : memref<10240x16xf32, #tpu.memory_space<vmem_shared>>)
        tpu.yield
      }) : () -> ()
    }
    %scan3A_9 = arith.constant 80 : i32
    %barrier3A_10 = arith.constant 0 : index
    tpu.barrier barrier_id(%barrier3A_10)
    %mul3A_11 = arith.constant 640 : i32
    %mul3A_12 = arith.muli %arg1, %mul3A_11 : i32
    %mul3A_13 = arith.constant 640 : i32
    %mul3A_14 = arith.muli %arg1, %mul3A_13 : i32
    "tpu.region"() ({
      %run_scoped3A = tpu.sem_alloc : memref<!tpu.dma_semaphore, #tpu.memory_space<semaphore_mem>>
      %dma_start3A = arith.constant 0 : i32
      %dma_start3A_15 = tpu.memref_slice %arg5[%arg0, %mul3A_14, %dma_start3A] : memref<2x10240x16xf32, #tpu.memory_space<hbm>> -> memref<1x640x16xf32, #tpu.memory_space<hbm>>
      %dma_start3A_16 = tpu.memref_squeeze %dma_start3A_15 : memref<1x640x16xf32, #tpu.memory_space<hbm>> -> memref<640x16xf32, #tpu.memory_space<hbm>>
      %dma_start3A_17 = arith.constant 0 : i32
      %dma_start3A_18 = tpu.memref_slice %arg8[%mul3A_12, %dma_start3A_17] : memref<10240x16xf32, #tpu.memory_space<vmem_shared>> -> memref<640x16xf32, #tpu.memory_space<vmem_shared>>
      tpu.enqueue_dma source(%dma_start3A_18 : memref<640x16xf32, #tpu.memory_space<vmem_shared>>) target(%dma_start3A_16 : memref<640x16xf32, #tpu.memory_space<hbm>>) target_semaphore(%run_scoped3A : memref<!tpu.dma_semaphore, #tpu.memory_space<semaphore_mem>>)
      %dma_wait3A = arith.constant 0 : i32
      %dma_wait3A_19 = tpu.memref_slice %arg5[%arg0, %mul3A_14, %dma_wait3A] : memref<2x10240x16xf32, #tpu.memory_space<hbm>> -> memref<1x640x16xf32, #tpu.memory_space<hbm>>
      %dma_wait3A_20 = tpu.memref_squeeze %dma_wait3A_19 : memref<1x640x16xf32, #tpu.memory_space<hbm>> -> memref<640x16xf32, #tpu.memory_space<hbm>>
      %dma_wait3A_21 = arith.constant 0 : i32
      %dma_wait3A_22 = tpu.memref_slice %arg8[%mul3A_12, %dma_wait3A_21] : memref<10240x16xf32, #tpu.memory_space<vmem_shared>> -> memref<640x16xf32, #tpu.memory_space<vmem_shared>>
      tpu.wait_dma2 semaphore(%run_scoped3A : memref<!tpu.dma_semaphore, #tpu.memory_space<semaphore_mem>>) src(%dma_wait3A_22 : memref<640x16xf32, #tpu.memory_space<vmem_shared>>) dst(%dma_wait3A_20 : memref<640x16xf32, #tpu.memory_space<hbm>>)
      tpu.yield
    }) : () -> ()
    return
  }
}

#map = affine_map<(d0, d1) -> (0, 0, 0)>
#map1 = affine_map<(d0, d1) -> (0, 0)>
module attributes {stable_mosaic.version = 14 : i64} {
  func.func @_gs_body(%arg0: i32, %arg1: i32, %arg2: memref<32x82x128xi32, #tpu.memory_space<hbm>>, %arg3: memref<32x82x128xi32, #tpu.memory_space<hbm>>, %arg4: memref<10240x64xf32, #tpu.memory_space<hbm>>, %arg5: memref<10240x64xf32, #tpu.memory_space<hbm>>, %arg6: memref<2x10240x64xf32, #tpu.memory_space<hbm>>, %arg7: memref<82x128xi32, #tpu.memory_space<vmem>>, %arg8: memref<82x128xi32, #tpu.memory_space<vmem>>, %arg9: memref<128x64xf32, #tpu.memory_space<vmem>>, %arg10: memref<10240x64xf32, #tpu.memory_space<vmem_shared>>, %arg11: memref<!tpu.dma_semaphore, #tpu.memory_space<semaphore_mem>>) attributes {dimension_semantics = [#tpu.dimension_semantics<core_parallel>, #tpu.dimension_semantics<subcore_parallel>], iteration_bounds = array<i64: 2, 16>, scalar_prefetch = 0 : i64, scratch_operands = 5 : i64, tpu.core_type = #tpu.core_type<sc_vector_subcore>, window_params = [{transform_indices = #map}, {transform_indices = #map}, {transform_indices = #map1}, {transform_indices = #map1}, {transform_indices = #map}]} {
    %mul3A = arith.constant 16 : i32
    %mul3A_0 = arith.muli %arg0, %mul3A : i32
    %add3A = arith.addi %mul3A_0, %arg1 : i32
    %mul3A_1 = arith.constant 640 : i32
    %mul3A_2 = arith.muli %arg1, %mul3A_1 : i32
    %mul3A_3 = arith.constant 640 : i32
    %mul3A_4 = arith.muli %arg1, %mul3A_3 : i32
    "tpu.region"() ({
      %run_scoped3A = tpu.sem_alloc : memref<!tpu.dma_semaphore, #tpu.memory_space<semaphore_mem>>
      %dma_start3A = arith.constant 0 : i32
      %dma_start3A_15 = tpu.memref_slice %arg10[%mul3A_4, %dma_start3A] : memref<10240x64xf32, #tpu.memory_space<vmem_shared>> -> memref<640x64xf32, #tpu.memory_space<vmem_shared>>
      %dma_start3A_16 = arith.constant 0 : i32
      %dma_start3A_17 = tpu.memref_slice %arg5[%mul3A_2, %dma_start3A_16] : memref<10240x64xf32, #tpu.memory_space<hbm>> -> memref<640x64xf32, #tpu.memory_space<hbm>>
      tpu.enqueue_dma source(%dma_start3A_17 : memref<640x64xf32, #tpu.memory_space<hbm>>) target(%dma_start3A_15 : memref<640x64xf32, #tpu.memory_space<vmem_shared>>) target_semaphore(%run_scoped3A : memref<!tpu.dma_semaphore, #tpu.memory_space<semaphore_mem>>)
      %dma_wait3A = arith.constant 0 : i32
      %dma_wait3A_18 = tpu.memref_slice %arg10[%mul3A_4, %dma_wait3A] : memref<10240x64xf32, #tpu.memory_space<vmem_shared>> -> memref<640x64xf32, #tpu.memory_space<vmem_shared>>
      %dma_wait3A_19 = arith.constant 0 : i32
      %dma_wait3A_20 = tpu.memref_slice %arg5[%mul3A_2, %dma_wait3A_19] : memref<10240x64xf32, #tpu.memory_space<hbm>> -> memref<640x64xf32, #tpu.memory_space<hbm>>
      tpu.wait_dma2 semaphore(%run_scoped3A : memref<!tpu.dma_semaphore, #tpu.memory_space<semaphore_mem>>) src(%dma_wait3A_20 : memref<640x64xf32, #tpu.memory_space<hbm>>) dst(%dma_wait3A_18 : memref<640x64xf32, #tpu.memory_space<vmem_shared>>)
      tpu.yield
    }) : () -> ()
    "tpu.region"() ({
      %run_scoped3A = tpu.sem_alloc : memref<!tpu.dma_semaphore, #tpu.memory_space<semaphore_mem>>
      %dma_start3A = arith.constant 0 : i32
      %dma_start3A_15 = arith.constant 0 : i32
      %dma_start3A_16 = tpu.memref_slice %arg2[%add3A, %dma_start3A, %dma_start3A_15] : memref<32x82x128xi32, #tpu.memory_space<hbm>> -> memref<1x82x128xi32, #tpu.memory_space<hbm>>
      %dma_start3A_17 = tpu.memref_squeeze %dma_start3A_16 : memref<1x82x128xi32, #tpu.memory_space<hbm>> -> memref<82x128xi32, #tpu.memory_space<hbm>>
      %dma_start3A_18 = arith.constant 0 : i32
      %dma_start3A_19 = arith.constant 0 : i32
      %dma_start3A_20 = tpu.memref_slice %arg2[%add3A, %dma_start3A_18, %dma_start3A_19] : memref<32x82x128xi32, #tpu.memory_space<hbm>> -> memref<1x82x128xi32, #tpu.memory_space<hbm>>
      %dma_start3A_21 = tpu.memref_squeeze %dma_start3A_20 : memref<1x82x128xi32, #tpu.memory_space<hbm>> -> memref<82x128xi32, #tpu.memory_space<hbm>>
      tpu.enqueue_dma source(%dma_start3A_21 : memref<82x128xi32, #tpu.memory_space<hbm>>) target(%arg7 : memref<82x128xi32, #tpu.memory_space<vmem>>) target_semaphore(%run_scoped3A : memref<!tpu.dma_semaphore, #tpu.memory_space<semaphore_mem>>)
      %dma_wait3A = arith.constant 0 : i32
      %dma_wait3A_22 = arith.constant 0 : i32
      %dma_wait3A_23 = tpu.memref_slice %arg2[%add3A, %dma_wait3A, %dma_wait3A_22] : memref<32x82x128xi32, #tpu.memory_space<hbm>> -> memref<1x82x128xi32, #tpu.memory_space<hbm>>
      %dma_wait3A_24 = tpu.memref_squeeze %dma_wait3A_23 : memref<1x82x128xi32, #tpu.memory_space<hbm>> -> memref<82x128xi32, #tpu.memory_space<hbm>>
      %dma_wait3A_25 = arith.constant 0 : i32
      %dma_wait3A_26 = arith.constant 0 : i32
      %dma_wait3A_27 = tpu.memref_slice %arg2[%add3A, %dma_wait3A_25, %dma_wait3A_26] : memref<32x82x128xi32, #tpu.memory_space<hbm>> -> memref<1x82x128xi32, #tpu.memory_space<hbm>>
      %dma_wait3A_28 = tpu.memref_squeeze %dma_wait3A_27 : memref<1x82x128xi32, #tpu.memory_space<hbm>> -> memref<82x128xi32, #tpu.memory_space<hbm>>
      tpu.wait_dma2 semaphore(%run_scoped3A : memref<!tpu.dma_semaphore, #tpu.memory_space<semaphore_mem>>) src(%dma_wait3A_28 : memref<82x128xi32, #tpu.memory_space<hbm>>) dst(%arg7 : memref<82x128xi32, #tpu.memory_space<vmem>>)
      tpu.yield
    }) : () -> ()
    "tpu.region"() ({
      %run_scoped3A = tpu.sem_alloc : memref<!tpu.dma_semaphore, #tpu.memory_space<semaphore_mem>>
      %dma_start3A = arith.constant 0 : i32
      %dma_start3A_15 = arith.constant 0 : i32
      %dma_start3A_16 = tpu.memref_slice %arg3[%add3A, %dma_start3A, %dma_start3A_15] : memref<32x82x128xi32, #tpu.memory_space<hbm>> -> memref<1x82x128xi32, #tpu.memory_space<hbm>>
      %dma_start3A_17 = tpu.memref_squeeze %dma_start3A_16 : memref<1x82x128xi32, #tpu.memory_space<hbm>> -> memref<82x128xi32, #tpu.memory_space<hbm>>
      %dma_start3A_18 = arith.constant 0 : i32
      %dma_start3A_19 = arith.constant 0 : i32
      %dma_start3A_20 = tpu.memref_slice %arg3[%add3A, %dma_start3A_18, %dma_start3A_19] : memref<32x82x128xi32, #tpu.memory_space<hbm>> -> memref<1x82x128xi32, #tpu.memory_space<hbm>>
      %dma_start3A_21 = tpu.memref_squeeze %dma_start3A_20 : memref<1x82x128xi32, #tpu.memory_space<hbm>> -> memref<82x128xi32, #tpu.memory_space<hbm>>
      tpu.enqueue_dma source(%dma_start3A_21 : memref<82x128xi32, #tpu.memory_space<hbm>>) target(%arg8 : memref<82x128xi32, #tpu.memory_space<vmem>>) target_semaphore(%run_scoped3A : memref<!tpu.dma_semaphore, #tpu.memory_space<semaphore_mem>>)
      %dma_wait3A = arith.constant 0 : i32
      %dma_wait3A_22 = arith.constant 0 : i32
      %dma_wait3A_23 = tpu.memref_slice %arg3[%add3A, %dma_wait3A, %dma_wait3A_22] : memref<32x82x128xi32, #tpu.memory_space<hbm>> -> memref<1x82x128xi32, #tpu.memory_space<hbm>>
      %dma_wait3A_24 = tpu.memref_squeeze %dma_wait3A_23 : memref<1x82x128xi32, #tpu.memory_space<hbm>> -> memref<82x128xi32, #tpu.memory_space<hbm>>
      %dma_wait3A_25 = arith.constant 0 : i32
      %dma_wait3A_26 = arith.constant 0 : i32
      %dma_wait3A_27 = tpu.memref_slice %arg3[%add3A, %dma_wait3A_25, %dma_wait3A_26] : memref<32x82x128xi32, #tpu.memory_space<hbm>> -> memref<1x82x128xi32, #tpu.memory_space<hbm>>
      %dma_wait3A_28 = tpu.memref_squeeze %dma_wait3A_27 : memref<1x82x128xi32, #tpu.memory_space<hbm>> -> memref<82x128xi32, #tpu.memory_space<hbm>>
      tpu.wait_dma2 semaphore(%run_scoped3A : memref<!tpu.dma_semaphore, #tpu.memory_space<semaphore_mem>>) src(%dma_wait3A_28 : memref<82x128xi32, #tpu.memory_space<hbm>>) dst(%arg8 : memref<82x128xi32, #tpu.memory_space<vmem>>)
      tpu.yield
    }) : () -> ()
    %barrier3A = arith.constant 0 : index
    tpu.barrier barrier_id(%barrier3A)
    %scan3A = arith.constant 0 : i32
    %scan3A_5 = arith.constant 0 : i32
    %scan3A_6 = arith.constant 80 : i32
    %scan3A_7 = arith.addi %scan3A_5, %scan3A_6 : i32
    %scan3A_8 = arith.constant 1 : i32
    scf.for %scan3A_15 = %scan3A_5 to %scan3A_7 step %scan3A_8  : i32 {
      %dma_start3A = arith.constant 0 : i32
      %dma_start3A_16 = tpu.memref_slice %arg7[%scan3A_15, %dma_start3A] : memref<82x128xi32, #tpu.memory_space<vmem>> -> memref<1x128xi32, #tpu.memory_space<vmem>>
      %dma_start3A_17 = tpu.memref_squeeze %dma_start3A_16 : memref<1x128xi32, #tpu.memory_space<vmem>> -> memref<128xi32, #tpu.memory_space<vmem>>
      %dma_start3A_18 = arith.constant 0 : i32
      %dma_start3A_19 = arith.constant 0 : i32
      %dma_start3A_20 = tpu.memref_slice %arg4[%dma_start3A_18, %dma_start3A_19] : memref<10240x64xf32, #tpu.memory_space<hbm>> -> memref<10240x64xf32, #tpu.memory_space<hbm>>
      tpu.enqueue_indirect_dma source(%dma_start3A_20 : memref<10240x64xf32, #tpu.memory_space<hbm>>) target(%arg9 : memref<128x64xf32, #tpu.memory_space<vmem>>) offsets(%dma_start3A_17 : memref<128xi32, #tpu.memory_space<vmem>>) semaphore(%arg11 : memref<!tpu.dma_semaphore, #tpu.memory_space<semaphore_mem>>)
      %dma_wait3A = arith.constant 0 : i32
      %dma_wait3A_21 = tpu.memref_slice %arg7[%scan3A_15, %dma_wait3A] : memref<82x128xi32, #tpu.memory_space<vmem>> -> memref<1x128xi32, #tpu.memory_space<vmem>>
      %dma_wait3A_22 = tpu.memref_squeeze %dma_wait3A_21 : memref<1x128xi32, #tpu.memory_space<vmem>> -> memref<128xi32, #tpu.memory_space<vmem>>
      %dma_wait3A_23 = arith.constant 0 : i32
      %dma_wait3A_24 = arith.constant 0 : i32
      %dma_wait3A_25 = tpu.memref_slice %arg4[%dma_wait3A_23, %dma_wait3A_24] : memref<10240x64xf32, #tpu.memory_space<hbm>> -> memref<10240x64xf32, #tpu.memory_space<hbm>>
      tpu.wait_indirect_dma semaphore(%arg11 : memref<!tpu.dma_semaphore, #tpu.memory_space<semaphore_mem>>) src(%dma_wait3A_25 : memref<10240x64xf32, #tpu.memory_space<hbm>>) dst(%arg9 : memref<128x64xf32, #tpu.memory_space<vmem>>)
      "tpu.region"() ({
        %run_scoped3A = tpu.sem_alloc : memref<!tpu.dma_semaphore, #tpu.memory_space<semaphore_mem>>
        %dma_start3A_26 = arith.constant 0 : i32
        %dma_start3A_27 = tpu.memref_slice %arg8[%scan3A_15, %dma_start3A_26] : memref<82x128xi32, #tpu.memory_space<vmem>> -> memref<1x128xi32, #tpu.memory_space<vmem>>
        %dma_start3A_28 = tpu.memref_squeeze %dma_start3A_27 : memref<1x128xi32, #tpu.memory_space<vmem>> -> memref<128xi32, #tpu.memory_space<vmem>>
        %dma_start3A_29 = arith.constant 0 : i32
        %dma_start3A_30 = arith.constant 0 : i32
        %dma_start3A_31 = tpu.memref_slice %arg10[%dma_start3A_29, %dma_start3A_30] : memref<10240x64xf32, #tpu.memory_space<vmem_shared>> -> memref<10240x64xf32, #tpu.memory_space<vmem_shared>>
        tpu.enqueue_indirect_dma source(%arg9 : memref<128x64xf32, #tpu.memory_space<vmem>>) target(%dma_start3A_31 : memref<10240x64xf32, #tpu.memory_space<vmem_shared>>) offsets(%dma_start3A_28 : memref<128xi32, #tpu.memory_space<vmem>>) semaphore(%run_scoped3A : memref<!tpu.dma_semaphore, #tpu.memory_space<semaphore_mem>>) {add = true}
        %dma_wait3A_32 = arith.constant 0 : i32
        %dma_wait3A_33 = tpu.memref_slice %arg8[%scan3A_15, %dma_wait3A_32] : memref<82x128xi32, #tpu.memory_space<vmem>> -> memref<1x128xi32, #tpu.memory_space<vmem>>
        %dma_wait3A_34 = tpu.memref_squeeze %dma_wait3A_33 : memref<1x128xi32, #tpu.memory_space<vmem>> -> memref<128xi32, #tpu.memory_space<vmem>>
        %dma_wait3A_35 = arith.constant 0 : i32
        %dma_wait3A_36 = arith.constant 0 : i32
        %dma_wait3A_37 = tpu.memref_slice %arg10[%dma_wait3A_35, %dma_wait3A_36] : memref<10240x64xf32, #tpu.memory_space<vmem_shared>> -> memref<10240x64xf32, #tpu.memory_space<vmem_shared>>
        tpu.wait_indirect_dma semaphore(%run_scoped3A : memref<!tpu.dma_semaphore, #tpu.memory_space<semaphore_mem>>) src(%arg9 : memref<128x64xf32, #tpu.memory_space<vmem>>) dst(%dma_wait3A_37 : memref<10240x64xf32, #tpu.memory_space<vmem_shared>>)
        tpu.yield
      }) : () -> ()
    }
    %scan3A_9 = arith.constant 80 : i32
    %barrier3A_10 = arith.constant 0 : index
    tpu.barrier barrier_id(%barrier3A_10)
    %mul3A_11 = arith.constant 640 : i32
    %mul3A_12 = arith.muli %arg1, %mul3A_11 : i32
    %mul3A_13 = arith.constant 640 : i32
    %mul3A_14 = arith.muli %arg1, %mul3A_13 : i32
    "tpu.region"() ({
      %run_scoped3A = tpu.sem_alloc : memref<!tpu.dma_semaphore, #tpu.memory_space<semaphore_mem>>
      %dma_start3A = arith.constant 0 : i32
      %dma_start3A_15 = tpu.memref_slice %arg6[%arg0, %mul3A_14, %dma_start3A] : memref<2x10240x64xf32, #tpu.memory_space<hbm>> -> memref<1x640x64xf32, #tpu.memory_space<hbm>>
      %dma_start3A_16 = tpu.memref_squeeze %dma_start3A_15 : memref<1x640x64xf32, #tpu.memory_space<hbm>> -> memref<640x64xf32, #tpu.memory_space<hbm>>
      %dma_start3A_17 = arith.constant 0 : i32
      %dma_start3A_18 = tpu.memref_slice %arg10[%mul3A_12, %dma_start3A_17] : memref<10240x64xf32, #tpu.memory_space<vmem_shared>> -> memref<640x64xf32, #tpu.memory_space<vmem_shared>>
      tpu.enqueue_dma source(%dma_start3A_18 : memref<640x64xf32, #tpu.memory_space<vmem_shared>>) target(%dma_start3A_16 : memref<640x64xf32, #tpu.memory_space<hbm>>) target_semaphore(%run_scoped3A : memref<!tpu.dma_semaphore, #tpu.memory_space<semaphore_mem>>)
      %dma_wait3A = arith.constant 0 : i32
      %dma_wait3A_19 = tpu.memref_slice %arg6[%arg0, %mul3A_14, %dma_wait3A] : memref<2x10240x64xf32, #tpu.memory_space<hbm>> -> memref<1x640x64xf32, #tpu.memory_space<hbm>>
      %dma_wait3A_20 = tpu.memref_squeeze %dma_wait3A_19 : memref<1x640x64xf32, #tpu.memory_space<hbm>> -> memref<640x64xf32, #tpu.memory_space<hbm>>
      %dma_wait3A_21 = arith.constant 0 : i32
      %dma_wait3A_22 = tpu.memref_slice %arg10[%mul3A_12, %dma_wait3A_21] : memref<10240x64xf32, #tpu.memory_space<vmem_shared>> -> memref<640x64xf32, #tpu.memory_space<vmem_shared>>
      tpu.wait_dma2 semaphore(%run_scoped3A : memref<!tpu.dma_semaphore, #tpu.memory_space<semaphore_mem>>) src(%dma_wait3A_22 : memref<640x64xf32, #tpu.memory_space<vmem_shared>>) dst(%dma_wait3A_20 : memref<640x64xf32, #tpu.memory_space<hbm>>)
      tpu.yield
    }) : () -> ()
    return
  }
}

#map = affine_map<(d0, d1) -> (0, 0, 0)>
#map1 = affine_map<(d0, d1) -> (0, 0)>
module attributes {stable_mosaic.version = 14 : i64} {
  func.func @_gs_body(%arg0: i32, %arg1: i32, %arg2: memref<32x82x128xi32, #tpu.memory_space<hbm>>, %arg3: memref<32x82x128xi32, #tpu.memory_space<hbm>>, %arg4: memref<10240x64xf32, #tpu.memory_space<hbm>>, %arg5: memref<10240x64xf32, #tpu.memory_space<hbm>>, %arg6: memref<2x10240x64xf32, #tpu.memory_space<hbm>>, %arg7: memref<82x128xi32, #tpu.memory_space<vmem>>, %arg8: memref<82x128xi32, #tpu.memory_space<vmem>>, %arg9: memref<128x64xf32, #tpu.memory_space<vmem>>, %arg10: memref<10240x64xf32, #tpu.memory_space<vmem_shared>>, %arg11: memref<!tpu.dma_semaphore, #tpu.memory_space<semaphore_mem>>) attributes {dimension_semantics = [#tpu.dimension_semantics<core_parallel>, #tpu.dimension_semantics<subcore_parallel>], iteration_bounds = array<i64: 2, 16>, scalar_prefetch = 0 : i64, scratch_operands = 5 : i64, tpu.core_type = #tpu.core_type<sc_vector_subcore>, window_params = [{transform_indices = #map}, {transform_indices = #map}, {transform_indices = #map1}, {transform_indices = #map1}, {transform_indices = #map}]} {
    %mul3A = arith.constant 16 : i32
    %mul3A_0 = arith.muli %arg0, %mul3A : i32
    %add3A = arith.addi %mul3A_0, %arg1 : i32
    %mul3A_1 = arith.constant 640 : i32
    %mul3A_2 = arith.muli %arg1, %mul3A_1 : i32
    %mul3A_3 = arith.constant 640 : i32
    %mul3A_4 = arith.muli %arg1, %mul3A_3 : i32
    "tpu.region"() ({
      %run_scoped3A = tpu.sem_alloc : memref<!tpu.dma_semaphore, #tpu.memory_space<semaphore_mem>>
      %dma_start3A = arith.constant 0 : i32
      %dma_start3A_15 = tpu.memref_slice %arg10[%mul3A_4, %dma_start3A] : memref<10240x64xf32, #tpu.memory_space<vmem_shared>> -> memref<640x64xf32, #tpu.memory_space<vmem_shared>>
      %dma_start3A_16 = arith.constant 0 : i32
      %dma_start3A_17 = tpu.memref_slice %arg5[%mul3A_2, %dma_start3A_16] : memref<10240x64xf32, #tpu.memory_space<hbm>> -> memref<640x64xf32, #tpu.memory_space<hbm>>
      tpu.enqueue_dma source(%dma_start3A_17 : memref<640x64xf32, #tpu.memory_space<hbm>>) target(%dma_start3A_15 : memref<640x64xf32, #tpu.memory_space<vmem_shared>>) target_semaphore(%run_scoped3A : memref<!tpu.dma_semaphore, #tpu.memory_space<semaphore_mem>>)
      %dma_wait3A = arith.constant 0 : i32
      %dma_wait3A_18 = tpu.memref_slice %arg10[%mul3A_4, %dma_wait3A] : memref<10240x64xf32, #tpu.memory_space<vmem_shared>> -> memref<640x64xf32, #tpu.memory_space<vmem_shared>>
      %dma_wait3A_19 = arith.constant 0 : i32
      %dma_wait3A_20 = tpu.memref_slice %arg5[%mul3A_2, %dma_wait3A_19] : memref<10240x64xf32, #tpu.memory_space<hbm>> -> memref<640x64xf32, #tpu.memory_space<hbm>>
      tpu.wait_dma2 semaphore(%run_scoped3A : memref<!tpu.dma_semaphore, #tpu.memory_space<semaphore_mem>>) src(%dma_wait3A_20 : memref<640x64xf32, #tpu.memory_space<hbm>>) dst(%dma_wait3A_18 : memref<640x64xf32, #tpu.memory_space<vmem_shared>>)
      tpu.yield
    }) : () -> ()
    "tpu.region"() ({
      %run_scoped3A = tpu.sem_alloc : memref<!tpu.dma_semaphore, #tpu.memory_space<semaphore_mem>>
      %dma_start3A = arith.constant 0 : i32
      %dma_start3A_15 = arith.constant 0 : i32
      %dma_start3A_16 = tpu.memref_slice %arg2[%add3A, %dma_start3A, %dma_start3A_15] : memref<32x82x128xi32, #tpu.memory_space<hbm>> -> memref<1x82x128xi32, #tpu.memory_space<hbm>>
      %dma_start3A_17 = tpu.memref_squeeze %dma_start3A_16 : memref<1x82x128xi32, #tpu.memory_space<hbm>> -> memref<82x128xi32, #tpu.memory_space<hbm>>
      %dma_start3A_18 = arith.constant 0 : i32
      %dma_start3A_19 = arith.constant 0 : i32
      %dma_start3A_20 = tpu.memref_slice %arg2[%add3A, %dma_start3A_18, %dma_start3A_19] : memref<32x82x128xi32, #tpu.memory_space<hbm>> -> memref<1x82x128xi32, #tpu.memory_space<hbm>>
      %dma_start3A_21 = tpu.memref_squeeze %dma_start3A_20 : memref<1x82x128xi32, #tpu.memory_space<hbm>> -> memref<82x128xi32, #tpu.memory_space<hbm>>
      tpu.enqueue_dma source(%dma_start3A_21 : memref<82x128xi32, #tpu.memory_space<hbm>>) target(%arg7 : memref<82x128xi32, #tpu.memory_space<vmem>>) target_semaphore(%run_scoped3A : memref<!tpu.dma_semaphore, #tpu.memory_space<semaphore_mem>>)
      %dma_wait3A = arith.constant 0 : i32
      %dma_wait3A_22 = arith.constant 0 : i32
      %dma_wait3A_23 = tpu.memref_slice %arg2[%add3A, %dma_wait3A, %dma_wait3A_22] : memref<32x82x128xi32, #tpu.memory_space<hbm>> -> memref<1x82x128xi32, #tpu.memory_space<hbm>>
      %dma_wait3A_24 = tpu.memref_squeeze %dma_wait3A_23 : memref<1x82x128xi32, #tpu.memory_space<hbm>> -> memref<82x128xi32, #tpu.memory_space<hbm>>
      %dma_wait3A_25 = arith.constant 0 : i32
      %dma_wait3A_26 = arith.constant 0 : i32
      %dma_wait3A_27 = tpu.memref_slice %arg2[%add3A, %dma_wait3A_25, %dma_wait3A_26] : memref<32x82x128xi32, #tpu.memory_space<hbm>> -> memref<1x82x128xi32, #tpu.memory_space<hbm>>
      %dma_wait3A_28 = tpu.memref_squeeze %dma_wait3A_27 : memref<1x82x128xi32, #tpu.memory_space<hbm>> -> memref<82x128xi32, #tpu.memory_space<hbm>>
      tpu.wait_dma2 semaphore(%run_scoped3A : memref<!tpu.dma_semaphore, #tpu.memory_space<semaphore_mem>>) src(%dma_wait3A_28 : memref<82x128xi32, #tpu.memory_space<hbm>>) dst(%arg7 : memref<82x128xi32, #tpu.memory_space<vmem>>)
      tpu.yield
    }) : () -> ()
    "tpu.region"() ({
      %run_scoped3A = tpu.sem_alloc : memref<!tpu.dma_semaphore, #tpu.memory_space<semaphore_mem>>
      %dma_start3A = arith.constant 0 : i32
      %dma_start3A_15 = arith.constant 0 : i32
      %dma_start3A_16 = tpu.memref_slice %arg3[%add3A, %dma_start3A, %dma_start3A_15] : memref<32x82x128xi32, #tpu.memory_space<hbm>> -> memref<1x82x128xi32, #tpu.memory_space<hbm>>
      %dma_start3A_17 = tpu.memref_squeeze %dma_start3A_16 : memref<1x82x128xi32, #tpu.memory_space<hbm>> -> memref<82x128xi32, #tpu.memory_space<hbm>>
      %dma_start3A_18 = arith.constant 0 : i32
      %dma_start3A_19 = arith.constant 0 : i32
      %dma_start3A_20 = tpu.memref_slice %arg3[%add3A, %dma_start3A_18, %dma_start3A_19] : memref<32x82x128xi32, #tpu.memory_space<hbm>> -> memref<1x82x128xi32, #tpu.memory_space<hbm>>
      %dma_start3A_21 = tpu.memref_squeeze %dma_start3A_20 : memref<1x82x128xi32, #tpu.memory_space<hbm>> -> memref<82x128xi32, #tpu.memory_space<hbm>>
      tpu.enqueue_dma source(%dma_start3A_21 : memref<82x128xi32, #tpu.memory_space<hbm>>) target(%arg8 : memref<82x128xi32, #tpu.memory_space<vmem>>) target_semaphore(%run_scoped3A : memref<!tpu.dma_semaphore, #tpu.memory_space<semaphore_mem>>)
      %dma_wait3A = arith.constant 0 : i32
      %dma_wait3A_22 = arith.constant 0 : i32
      %dma_wait3A_23 = tpu.memref_slice %arg3[%add3A, %dma_wait3A, %dma_wait3A_22] : memref<32x82x128xi32, #tpu.memory_space<hbm>> -> memref<1x82x128xi32, #tpu.memory_space<hbm>>
      %dma_wait3A_24 = tpu.memref_squeeze %dma_wait3A_23 : memref<1x82x128xi32, #tpu.memory_space<hbm>> -> memref<82x128xi32, #tpu.memory_space<hbm>>
      %dma_wait3A_25 = arith.constant 0 : i32
      %dma_wait3A_26 = arith.constant 0 : i32
      %dma_wait3A_27 = tpu.memref_slice %arg3[%add3A, %dma_wait3A_25, %dma_wait3A_26] : memref<32x82x128xi32, #tpu.memory_space<hbm>> -> memref<1x82x128xi32, #tpu.memory_space<hbm>>
      %dma_wait3A_28 = tpu.memref_squeeze %dma_wait3A_27 : memref<1x82x128xi32, #tpu.memory_space<hbm>> -> memref<82x128xi32, #tpu.memory_space<hbm>>
      tpu.wait_dma2 semaphore(%run_scoped3A : memref<!tpu.dma_semaphore, #tpu.memory_space<semaphore_mem>>) src(%dma_wait3A_28 : memref<82x128xi32, #tpu.memory_space<hbm>>) dst(%arg8 : memref<82x128xi32, #tpu.memory_space<vmem>>)
      tpu.yield
    }) : () -> ()
    %barrier3A = arith.constant 0 : index
    tpu.barrier barrier_id(%barrier3A)
    %scan3A = arith.constant 0 : i32
    %scan3A_5 = arith.constant 0 : i32
    %scan3A_6 = arith.constant 80 : i32
    %scan3A_7 = arith.addi %scan3A_5, %scan3A_6 : i32
    %scan3A_8 = arith.constant 1 : i32
    scf.for %scan3A_15 = %scan3A_5 to %scan3A_7 step %scan3A_8  : i32 {
      %dma_start3A = arith.constant 0 : i32
      %dma_start3A_16 = tpu.memref_slice %arg7[%scan3A_15, %dma_start3A] : memref<82x128xi32, #tpu.memory_space<vmem>> -> memref<1x128xi32, #tpu.memory_space<vmem>>
      %dma_start3A_17 = tpu.memref_squeeze %dma_start3A_16 : memref<1x128xi32, #tpu.memory_space<vmem>> -> memref<128xi32, #tpu.memory_space<vmem>>
      %dma_start3A_18 = arith.constant 0 : i32
      %dma_start3A_19 = arith.constant 0 : i32
      %dma_start3A_20 = tpu.memref_slice %arg4[%dma_start3A_18, %dma_start3A_19] : memref<10240x64xf32, #tpu.memory_space<hbm>> -> memref<10240x64xf32, #tpu.memory_space<hbm>>
      tpu.enqueue_indirect_dma source(%dma_start3A_20 : memref<10240x64xf32, #tpu.memory_space<hbm>>) target(%arg9 : memref<128x64xf32, #tpu.memory_space<vmem>>) offsets(%dma_start3A_17 : memref<128xi32, #tpu.memory_space<vmem>>) semaphore(%arg11 : memref<!tpu.dma_semaphore, #tpu.memory_space<semaphore_mem>>)
      %dma_wait3A = arith.constant 0 : i32
      %dma_wait3A_21 = tpu.memref_slice %arg7[%scan3A_15, %dma_wait3A] : memref<82x128xi32, #tpu.memory_space<vmem>> -> memref<1x128xi32, #tpu.memory_space<vmem>>
      %dma_wait3A_22 = tpu.memref_squeeze %dma_wait3A_21 : memref<1x128xi32, #tpu.memory_space<vmem>> -> memref<128xi32, #tpu.memory_space<vmem>>
      %dma_wait3A_23 = arith.constant 0 : i32
      %dma_wait3A_24 = arith.constant 0 : i32
      %dma_wait3A_25 = tpu.memref_slice %arg4[%dma_wait3A_23, %dma_wait3A_24] : memref<10240x64xf32, #tpu.memory_space<hbm>> -> memref<10240x64xf32, #tpu.memory_space<hbm>>
      tpu.wait_indirect_dma semaphore(%arg11 : memref<!tpu.dma_semaphore, #tpu.memory_space<semaphore_mem>>) src(%dma_wait3A_25 : memref<10240x64xf32, #tpu.memory_space<hbm>>) dst(%arg9 : memref<128x64xf32, #tpu.memory_space<vmem>>)
      "tpu.region"() ({
        %run_scoped3A = tpu.sem_alloc : memref<!tpu.dma_semaphore, #tpu.memory_space<semaphore_mem>>
        %dma_start3A_26 = arith.constant 0 : i32
        %dma_start3A_27 = tpu.memref_slice %arg8[%scan3A_15, %dma_start3A_26] : memref<82x128xi32, #tpu.memory_space<vmem>> -> memref<1x128xi32, #tpu.memory_space<vmem>>
        %dma_start3A_28 = tpu.memref_squeeze %dma_start3A_27 : memref<1x128xi32, #tpu.memory_space<vmem>> -> memref<128xi32, #tpu.memory_space<vmem>>
        %dma_start3A_29 = arith.constant 0 : i32
        %dma_start3A_30 = arith.constant 0 : i32
        %dma_start3A_31 = tpu.memref_slice %arg10[%dma_start3A_29, %dma_start3A_30] : memref<10240x64xf32, #tpu.memory_space<vmem_shared>> -> memref<10240x64xf32, #tpu.memory_space<vmem_shared>>
        tpu.enqueue_indirect_dma source(%arg9 : memref<128x64xf32, #tpu.memory_space<vmem>>) target(%dma_start3A_31 : memref<10240x64xf32, #tpu.memory_space<vmem_shared>>) offsets(%dma_start3A_28 : memref<128xi32, #tpu.memory_space<vmem>>) semaphore(%run_scoped3A : memref<!tpu.dma_semaphore, #tpu.memory_space<semaphore_mem>>) {add = true}
        %dma_wait3A_32 = arith.constant 0 : i32
        %dma_wait3A_33 = tpu.memref_slice %arg8[%scan3A_15, %dma_wait3A_32] : memref<82x128xi32, #tpu.memory_space<vmem>> -> memref<1x128xi32, #tpu.memory_space<vmem>>
        %dma_wait3A_34 = tpu.memref_squeeze %dma_wait3A_33 : memref<1x128xi32, #tpu.memory_space<vmem>> -> memref<128xi32, #tpu.memory_space<vmem>>
        %dma_wait3A_35 = arith.constant 0 : i32
        %dma_wait3A_36 = arith.constant 0 : i32
        %dma_wait3A_37 = tpu.memref_slice %arg10[%dma_wait3A_35, %dma_wait3A_36] : memref<10240x64xf32, #tpu.memory_space<vmem_shared>> -> memref<10240x64xf32, #tpu.memory_space<vmem_shared>>
        tpu.wait_indirect_dma semaphore(%run_scoped3A : memref<!tpu.dma_semaphore, #tpu.memory_space<semaphore_mem>>) src(%arg9 : memref<128x64xf32, #tpu.memory_space<vmem>>) dst(%dma_wait3A_37 : memref<10240x64xf32, #tpu.memory_space<vmem_shared>>)
        tpu.yield
      }) : () -> ()
    }
    %scan3A_9 = arith.constant 80 : i32
    %barrier3A_10 = arith.constant 0 : index
    tpu.barrier barrier_id(%barrier3A_10)
    %mul3A_11 = arith.constant 640 : i32
    %mul3A_12 = arith.muli %arg1, %mul3A_11 : i32
    %mul3A_13 = arith.constant 640 : i32
    %mul3A_14 = arith.muli %arg1, %mul3A_13 : i32
    "tpu.region"() ({
      %run_scoped3A = tpu.sem_alloc : memref<!tpu.dma_semaphore, #tpu.memory_space<semaphore_mem>>
      %dma_start3A = arith.constant 0 : i32
      %dma_start3A_15 = tpu.memref_slice %arg6[%arg0, %mul3A_14, %dma_start3A] : memref<2x10240x64xf32, #tpu.memory_space<hbm>> -> memref<1x640x64xf32, #tpu.memory_space<hbm>>
      %dma_start3A_16 = tpu.memref_squeeze %dma_start3A_15 : memref<1x640x64xf32, #tpu.memory_space<hbm>> -> memref<640x64xf32, #tpu.memory_space<hbm>>
      %dma_start3A_17 = arith.constant 0 : i32
      %dma_start3A_18 = tpu.memref_slice %arg10[%mul3A_12, %dma_start3A_17] : memref<10240x64xf32, #tpu.memory_space<vmem_shared>> -> memref<640x64xf32, #tpu.memory_space<vmem_shared>>
      tpu.enqueue_dma source(%dma_start3A_18 : memref<640x64xf32, #tpu.memory_space<vmem_shared>>) target(%dma_start3A_16 : memref<640x64xf32, #tpu.memory_space<hbm>>) target_semaphore(%run_scoped3A : memref<!tpu.dma_semaphore, #tpu.memory_space<semaphore_mem>>)
      %dma_wait3A = arith.constant 0 : i32
      %dma_wait3A_19 = tpu.memref_slice %arg6[%arg0, %mul3A_14, %dma_wait3A] : memref<2x10240x64xf32, #tpu.memory_space<hbm>> -> memref<1x640x64xf32, #tpu.memory_space<hbm>>
      %dma_wait3A_20 = tpu.memref_squeeze %dma_wait3A_19 : memref<1x640x64xf32, #tpu.memory_space<hbm>> -> memref<640x64xf32, #tpu.memory_space<hbm>>
      %dma_wait3A_21 = arith.constant 0 : i32
      %dma_wait3A_22 = tpu.memref_slice %arg10[%mul3A_12, %dma_wait3A_21] : memref<10240x64xf32, #tpu.memory_space<vmem_shared>> -> memref<640x64xf32, #tpu.memory_space<vmem_shared>>
      tpu.wait_dma2 semaphore(%run_scoped3A : memref<!tpu.dma_semaphore, #tpu.memory_space<semaphore_mem>>) src(%dma_wait3A_22 : memref<640x64xf32, #tpu.memory_space<vmem_shared>>) dst(%dma_wait3A_20 : memref<640x64xf32, #tpu.memory_space<hbm>>)
      tpu.yield
    }) : () -> ()
    return
  }
}

module attributes {stable_mosaic.version = 14 : i64} {
  func.func @_tc1_body(%arg0: i32, %arg1: memref<256x128xf32, #tpu.memory_space<vmem>>, %arg2: memref<128x64xf32, #tpu.memory_space<vmem>>, %arg3: memref<2x256x16xf32, #tpu.memory_space<vmem>>, %arg4: memref<256x64xf32, #tpu.memory_space<vmem>>) attributes {dimension_semantics = [#tpu.dimension_semantics<arbitrary>], iteration_bounds = array<i64: 40>, scalar_prefetch = 0 : i64, scratch_operands = 0 : i64, tpu.core_type = #tpu.core_type<tc>, window_params = [{transform_indices = @transform_0, window_bounds = array<i64: 256, 128>}, {pipeline_mode = #tpu.pipeline_mode<synchronous>, transform_indices = @transform_1, window_bounds = array<i64: 128, 64>}, {transform_indices = @transform_2, window_bounds = array<i64: 2, 256, 16>}, {transform_indices = @transform_3, window_bounds = array<i64: 256, 64>}]} {
    %get3A = arith.constant 0 : index
    %get3A_0 = arith.constant 0 : index
    %get3A_1 = vector.load %arg1[%get3A, %get3A_0] : memref<256x128xf32, #tpu.memory_space<vmem>>, vector<256x128xf32>
    %get3A_2 = arith.constant 0 : index
    %get3A_3 = arith.constant 0 : index
    %get3A_4 = vector.load %arg2[%get3A_2, %get3A_3] : memref<128x64xf32, #tpu.memory_space<vmem>>, vector<128x64xf32>
    %dot_general3A = arith.constant dense<0.000000e+00> : vector<256x64xf32>
    %dot_general3A_5 = tpu.matmul %get3A_1, %get3A_4, %dot_general3A {dimension_numbers = #tpu.dot_dimension_numbers<[1], [0], [0], [1], [0, 0, 1, 1], [], []>, transpose_lhs_hint = false} : vector<256x128xf32>, vector<128x64xf32>, vector<256x64xf32> -> vector<256x64xf32>
    %get3A_6 = arith.constant 0 : index
    %get3A_7 = arith.constant 0 : index
    %get3A_8 = arith.constant 0 : index
    %get3A_9 = vector.load %arg3[%get3A_6, %get3A_7, %get3A_8] : memref<2x256x16xf32, #tpu.memory_space<vmem>>, vector<2x256x16xf32>
    %slice3A = vector.extract_strided_slice %get3A_9 {offsets = [0, 0, 0], sizes = [1, 256, 1], strides = [1, 1, 1]} : vector<2x256x16xf32> to vector<1x256x1xf32>
    %squeeze3A = vector.shape_cast %slice3A : vector<1x256x1xf32> to vector<256xf32>
    %slice3A_10 = vector.extract_strided_slice %get3A_9 {offsets = [1, 0, 0], sizes = [1, 256, 1], strides = [1, 1, 1]} : vector<2x256x16xf32> to vector<1x256x1xf32>
    %squeeze3A_11 = vector.shape_cast %slice3A_10 : vector<1x256x1xf32> to vector<256xf32>
    %add3A = arith.addf %squeeze3A, %squeeze3A_11 : vector<256xf32>
    %add3A_12 = arith.constant 1.000000e+00 : f32
    %add3A_13 = vector.broadcast %add3A_12 : f32 to vector<256xf32>
    %add3A_14 = arith.addf %add3A, %add3A_13 : vector<256xf32>
    %rsqrt3A = math.rsqrt %add3A_14 : vector<256xf32>
    %broadcast_in_dim3A = vector.shape_cast %rsqrt3A : vector<256xf32> to vector<256x1xf32>
    %mul3A = vector.broadcast %broadcast_in_dim3A : vector<256x1xf32> to vector<256x64xf32>
    %mul3A_15 = arith.mulf %dot_general3A_5, %mul3A : vector<256x64xf32>
    %swap3A = arith.constant 0 : index
    %swap3A_16 = arith.constant 0 : index
    %swap3A_17 = vector.load %arg4[%swap3A, %swap3A_16] : memref<256x64xf32, #tpu.memory_space<vmem>>, vector<256x64xf32>
    tpu.vector_store %arg4[%swap3A, %swap3A_16], %mul3A_15 {strides = array<i32>} : memref<256x64xf32, #tpu.memory_space<vmem>>, vector<256x64xf32>,
    return
  }
  func.func @transform_0(%arg0: i32) -> (i32, i32) {
    %c0_i32 = arith.constant 0 : i32
    %c0_i32_0 = arith.constant 0 : i32
    return %arg0, %c0_i32 : i32, i32
  }
  func.func @transform_1(%arg0: i32) -> (i32, i32) {
    %c0_i32 = arith.constant 0 : i32
    %c0_i32_0 = arith.constant 0 : i32
    %c0_i32_1 = arith.constant 0 : i32
    return %c0_i32, %c0_i32_0 : i32, i32
  }
  func.func @transform_2(%arg0: i32) -> (i32, i32, i32) {
    %c0_i32 = arith.constant 0 : i32
    %c0_i32_0 = arith.constant 0 : i32
    %c0_i32_1 = arith.constant 0 : i32
    return %c0_i32, %arg0, %c0_i32_0 : i32, i32, i32
  }
  func.func @transform_3(%arg0: i32) -> (i32, i32) {
    %c0_i32 = arith.constant 0 : i32
    %c0_i32_0 = arith.constant 0 : i32
    return %arg0, %c0_i32 : i32, i32
  }
}

module attributes {stable_mosaic.version = 14 : i64} {
  func.func @_tc2_body(%arg0: i32, %arg1: memref<2x256x64xf32, #tpu.memory_space<vmem>>, %arg2: memref<256x64xf32, #tpu.memory_space<vmem>>, %arg3: memref<2x256x16xf32, #tpu.memory_space<vmem>>, %arg4: memref<1x64xf32, #tpu.memory_space<vmem>>, %arg5: memref<64x64xf32, #tpu.memory_space<vmem>>, %arg6: memref<256x64xf32, #tpu.memory_space<vmem>>) attributes {dimension_semantics = [#tpu.dimension_semantics<arbitrary>], iteration_bounds = array<i64: 40>, scalar_prefetch = 0 : i64, scratch_operands = 0 : i64, tpu.core_type = #tpu.core_type<tc>, window_params = [{transform_indices = @transform_0, window_bounds = array<i64: 2, 256, 64>}, {transform_indices = @transform_1, window_bounds = array<i64: 256, 64>}, {transform_indices = @transform_2, window_bounds = array<i64: 2, 256, 16>}, {pipeline_mode = #tpu.pipeline_mode<synchronous>, transform_indices = @transform_3, window_bounds = array<i64: 1, 64>}, {pipeline_mode = #tpu.pipeline_mode<synchronous>, transform_indices = @transform_4, window_bounds = array<i64: 64, 64>}, {transform_indices = @transform_5, window_bounds = array<i64: 256, 64>}]} {
    %get3A = arith.constant 0 : index
    %get3A_0 = arith.constant 0 : index
    %get3A_1 = arith.constant 0 : index
    %get3A_2 = vector.load %arg3[%get3A, %get3A_0, %get3A_1] : memref<2x256x16xf32, #tpu.memory_space<vmem>>, vector<2x256x16xf32>
    %slice3A = vector.extract_strided_slice %get3A_2 {offsets = [0, 0, 0], sizes = [1, 256, 1], strides = [1, 1, 1]} : vector<2x256x16xf32> to vector<1x256x1xf32>
    %squeeze3A = vector.shape_cast %slice3A : vector<1x256x1xf32> to vector<256xf32>
    %slice3A_3 = vector.extract_strided_slice %get3A_2 {offsets = [1, 0, 0], sizes = [1, 256, 1], strides = [1, 1, 1]} : vector<2x256x16xf32> to vector<1x256x1xf32>
    %squeeze3A_4 = vector.shape_cast %slice3A_3 : vector<1x256x1xf32> to vector<256xf32>
    %add3A = arith.addf %squeeze3A, %squeeze3A_4 : vector<256xf32>
    %add3A_5 = arith.constant 1.000000e+00 : f32
    %add3A_6 = vector.broadcast %add3A_5 : f32 to vector<256xf32>
    %add3A_7 = arith.addf %add3A, %add3A_6 : vector<256xf32>
    %rsqrt3A = math.rsqrt %add3A_7 : vector<256xf32>
    %broadcast_in_dim3A = vector.shape_cast %rsqrt3A : vector<256xf32> to vector<256x1xf32>
    %get3A_8 = arith.constant 0 : index
    %get3A_9 = arith.constant 0 : index
    %get3A_10 = arith.constant 0 : index
    %get3A_11 = vector.load %arg1[%get3A_8, %get3A_9, %get3A_10] : memref<2x256x64xf32, #tpu.memory_space<vmem>>, vector<1x256x64xf32>
    %get3A_12 = vector.shape_cast %get3A_11 : vector<1x256x64xf32> to vector<256x64xf32>
    %get3A_13 = arith.constant 1 : index
    %get3A_14 = arith.constant 0 : index
    %get3A_15 = arith.constant 0 : index
    %get3A_16 = vector.load %arg1[%get3A_13, %get3A_14, %get3A_15] : memref<2x256x64xf32, #tpu.memory_space<vmem>>, vector<1x256x64xf32>
    %get3A_17 = vector.shape_cast %get3A_16 : vector<1x256x64xf32> to vector<256x64xf32>
    %add3A_18 = arith.addf %get3A_12, %get3A_17 : vector<256x64xf32>
    %get3A_19 = arith.constant 0 : index
    %get3A_20 = arith.constant 0 : index
    %get3A_21 = vector.load %arg2[%get3A_19, %get3A_20] : memref<256x64xf32, #tpu.memory_space<vmem>>, vector<256x64xf32>
    %add3A_22 = arith.addf %add3A_18, %get3A_21 : vector<256x64xf32>
    %mul3A = vector.broadcast %broadcast_in_dim3A : vector<256x1xf32> to vector<256x64xf32>
    %mul3A_23 = arith.mulf %add3A_22, %mul3A : vector<256x64xf32>
    %get3A_24 = arith.constant 0 : index
    %get3A_25 = arith.constant 0 : index
    %get3A_26 = vector.load %arg4[%get3A_24, %get3A_25] : memref<1x64xf32, #tpu.memory_space<vmem>>, vector<1x64xf32>
    %add3A_27 = vector.broadcast %get3A_26 : vector<1x64xf32> to vector<256x64xf32>
    %add3A_28 = arith.addf %mul3A_23, %add3A_27 : vector<256x64xf32>
    %max3A = arith.constant 0.000000e+00 : f32
    %max3A_29 = vector.broadcast %max3A : f32 to vector<256x64xf32>
    %max3A_30 = arith.maximumf %add3A_28, %max3A_29 : vector<256x64xf32>
    %get3A_31 = arith.constant 0 : index
    %get3A_32 = arith.constant 0 : index
    %get3A_33 = vector.load %arg5[%get3A_31, %get3A_32] : memref<64x64xf32, #tpu.memory_space<vmem>>, vector<64x64xf32>
    %dot_general3A = arith.constant dense<0.000000e+00> : vector<256x64xf32>
    %dot_general3A_34 = tpu.matmul %max3A_30, %get3A_33, %dot_general3A {dimension_numbers = #tpu.dot_dimension_numbers<[1], [0], [0], [1], [0, 0, 1, 1], [], []>, transpose_lhs_hint = false} : vector<256x64xf32>, vector<64x64xf32>, vector<256x64xf32> -> vector<256x64xf32>
    %mul3A_35 = vector.broadcast %broadcast_in_dim3A : vector<256x1xf32> to vector<256x64xf32>
    %mul3A_36 = arith.mulf %dot_general3A_34, %mul3A_35 : vector<256x64xf32>
    %swap3A = arith.constant 0 : index
    %swap3A_37 = arith.constant 0 : index
    %swap3A_38 = vector.load %arg6[%swap3A, %swap3A_37] : memref<256x64xf32, #tpu.memory_space<vmem>>, vector<256x64xf32>
    tpu.vector_store %arg6[%swap3A, %swap3A_37], %mul3A_36 {strides = array<i32>} : memref<256x64xf32, #tpu.memory_space<vmem>>, vector<256x64xf32>,
    return
  }
  func.func @transform_0(%arg0: i32) -> (i32, i32, i32) {
    %c0_i32 = arith.constant 0 : i32
    %c0_i32_0 = arith.constant 0 : i32
    %c0_i32_1 = arith.constant 0 : i32
    return %c0_i32, %arg0, %c0_i32_0 : i32, i32, i32
  }
  func.func @transform_1(%arg0: i32) -> (i32, i32) {
    %c0_i32 = arith.constant 0 : i32
    %c0_i32_0 = arith.constant 0 : i32
    return %arg0, %c0_i32 : i32, i32
  }
  func.func @transform_2(%arg0: i32) -> (i32, i32, i32) {
    %c0_i32 = arith.constant 0 : i32
    %c0_i32_0 = arith.constant 0 : i32
    %c0_i32_1 = arith.constant 0 : i32
    return %c0_i32, %arg0, %c0_i32_0 : i32, i32, i32
  }
  func.func @transform_3(%arg0: i32) -> (i32, i32) {
    %c0_i32 = arith.constant 0 : i32
    %c0_i32_0 = arith.constant 0 : i32
    %c0_i32_1 = arith.constant 0 : i32
    return %c0_i32, %c0_i32_0 : i32, i32
  }
  func.func @transform_4(%arg0: i32) -> (i32, i32) {
    %c0_i32 = arith.constant 0 : i32
    %c0_i32_0 = arith.constant 0 : i32
    %c0_i32_1 = arith.constant 0 : i32
    return %c0_i32, %c0_i32_0 : i32, i32
  }
  func.func @transform_5(%arg0: i32) -> (i32, i32) {
    %c0_i32 = arith.constant 0 : i32
    %c0_i32_0 = arith.constant 0 : i32
    return %arg0, %c0_i32 : i32, i32
  }
}

module attributes {stable_mosaic.version = 14 : i64} {
  func.func @_tc3_body(%arg0: i32, %arg1: memref<2x256x64xf32, #tpu.memory_space<vmem>>, %arg2: memref<256x64xf32, #tpu.memory_space<vmem>>, %arg3: memref<2x256x16xf32, #tpu.memory_space<vmem>>, %arg4: memref<1x64xf32, #tpu.memory_space<vmem>>, %arg5: memref<1x1x256xi32, #tpu.memory_space<vmem>>, %arg6: memref<256x64xf32, #tpu.memory_space<vmem>>, %arg7: memref<256x1xf32, #tpu.memory_space<vmem>>) attributes {dimension_semantics = [#tpu.dimension_semantics<arbitrary>], iteration_bounds = array<i64: 40>, scalar_prefetch = 0 : i64, scratch_operands = 0 : i64, tpu.core_type = #tpu.core_type<tc>, window_params = [{transform_indices = @transform_0, window_bounds = array<i64: 2, 256, 64>}, {transform_indices = @transform_1, window_bounds = array<i64: 256, 64>}, {transform_indices = @transform_2, window_bounds = array<i64: 2, 256, 16>}, {pipeline_mode = #tpu.pipeline_mode<synchronous>, transform_indices = @transform_3, window_bounds = array<i64: 1, 64>}, {transform_indices = @transform_4, window_bounds = array<i64: 1, 1, 256>}, {pipeline_mode = #tpu.pipeline_mode<synchronous>, transform_indices = @transform_5, window_bounds = array<i64: 256, 64>}, {pipeline_mode = #tpu.pipeline_mode<synchronous>, transform_indices = @transform_6, window_bounds = array<i64: 256, 1>}]} {
    %get3A = arith.constant 0 : index
    %get3A_0 = arith.constant 0 : index
    %get3A_1 = arith.constant 0 : index
    %get3A_2 = vector.load %arg3[%get3A, %get3A_0, %get3A_1] : memref<2x256x16xf32, #tpu.memory_space<vmem>>, vector<2x256x16xf32>
    %slice3A = vector.extract_strided_slice %get3A_2 {offsets = [0, 0, 0], sizes = [1, 256, 1], strides = [1, 1, 1]} : vector<2x256x16xf32> to vector<1x256x1xf32>
    %squeeze3A = vector.shape_cast %slice3A : vector<1x256x1xf32> to vector<256xf32>
    %slice3A_3 = vector.extract_strided_slice %get3A_2 {offsets = [1, 0, 0], sizes = [1, 256, 1], strides = [1, 1, 1]} : vector<2x256x16xf32> to vector<1x256x1xf32>
    %squeeze3A_4 = vector.shape_cast %slice3A_3 : vector<1x256x1xf32> to vector<256xf32>
    %add3A = arith.addf %squeeze3A, %squeeze3A_4 : vector<256xf32>
    %add3A_5 = arith.constant 1.000000e+00 : f32
    %add3A_6 = vector.broadcast %add3A_5 : f32 to vector<256xf32>
    %add3A_7 = arith.addf %add3A, %add3A_6 : vector<256xf32>
    %rsqrt3A = math.rsqrt %add3A_7 : vector<256xf32>
    %broadcast_in_dim3A = vector.shape_cast %rsqrt3A : vector<256xf32> to vector<256x1xf32>
    %get3A_8 = arith.constant 0 : index
    %get3A_9 = arith.constant 0 : index
    %get3A_10 = arith.constant 0 : index
    %get3A_11 = vector.load %arg1[%get3A_8, %get3A_9, %get3A_10] : memref<2x256x64xf32, #tpu.memory_space<vmem>>, vector<1x256x64xf32>
    %get3A_12 = vector.shape_cast %get3A_11 : vector<1x256x64xf32> to vector<256x64xf32>
    %get3A_13 = arith.constant 1 : index
    %get3A_14 = arith.constant 0 : index
    %get3A_15 = arith.constant 0 : index
    %get3A_16 = vector.load %arg1[%get3A_13, %get3A_14, %get3A_15] : memref<2x256x64xf32, #tpu.memory_space<vmem>>, vector<1x256x64xf32>
    %get3A_17 = vector.shape_cast %get3A_16 : vector<1x256x64xf32> to vector<256x64xf32>
    %add3A_18 = arith.addf %get3A_12, %get3A_17 : vector<256x64xf32>
    %get3A_19 = arith.constant 0 : index
    %get3A_20 = arith.constant 0 : index
    %get3A_21 = vector.load %arg2[%get3A_19, %get3A_20] : memref<256x64xf32, #tpu.memory_space<vmem>>, vector<256x64xf32>
    %add3A_22 = arith.addf %add3A_18, %get3A_21 : vector<256x64xf32>
    %mul3A = vector.broadcast %broadcast_in_dim3A : vector<256x1xf32> to vector<256x64xf32>
    %mul3A_23 = arith.mulf %add3A_22, %mul3A : vector<256x64xf32>
    %get3A_24 = arith.constant 0 : index
    %get3A_25 = arith.constant 0 : index
    %get3A_26 = vector.load %arg4[%get3A_24, %get3A_25] : memref<1x64xf32, #tpu.memory_space<vmem>>, vector<1x64xf32>
    %add3A_27 = vector.broadcast %get3A_26 : vector<1x64xf32> to vector<256x64xf32>
    %add3A_28 = arith.addf %mul3A_23, %add3A_27 : vector<256x64xf32>
    %max3A = arith.constant 0.000000e+00 : f32
    %max3A_29 = vector.broadcast %max3A : f32 to vector<256x64xf32>
    %max3A_30 = arith.maximumf %add3A_28, %max3A_29 : vector<256x64xf32>
    %iota3A = tpu.iota {dimensions = array<i32: 0>} : vector<256x256xi32>
    %get3A_31 = arith.constant 0 : index
    %get3A_32 = arith.constant 0 : index
    %get3A_33 = arith.constant 0 : index
    %get3A_34 = vector.load %arg5[%get3A_31, %get3A_32, %get3A_33] : memref<1x1x256xi32, #tpu.memory_space<vmem>>, vector<1x1x256xi32>
    %get3A_35 = vector.shape_cast %get3A_34 : vector<1x1x256xi32> to vector<1x256xi32>
    %eq3A = vector.broadcast %get3A_35 : vector<1x256xi32> to vector<256x256xi32>
    %eq3A_36 = arith.cmpi eq, %iota3A, %eq3A : vector<256x256xi32>
    %convert_element_type3A = arith.extui %eq3A_36 : vector<256x256xi1> to vector<256x256xi32>
    %convert_element_type3A_37 = arith.sitofp %convert_element_type3A : vector<256x256xi32> to vector<256x256xf32>
    %eq3A_38 = arith.constant 0 : i32
    %eq3A_39 = arith.cmpi eq, %arg0, %eq3A_38 : i32
    %convert_element_type3A_40 = arith.extui %eq3A_39 : i1 to i32
    %cond3A = arith.constant 0 : i32
    %cond3A_41 = arith.cmpi ne, %convert_element_type3A_40, %cond3A : i32
    scf.if %cond3A_41 {
      %broadcast_in_dim3A_58 = arith.constant 0.000000e+00 : f32
      %broadcast_in_dim3A_59 = vector.broadcast %broadcast_in_dim3A_58 : f32 to vector<256x64xf32>
      %swap3A_60 = arith.constant 0 : index
      %swap3A_61 = arith.constant 0 : index
      %swap3A_62 = vector.load %arg6[%swap3A_60, %swap3A_61] : memref<256x64xf32, #tpu.memory_space<vmem>>, vector<256x64xf32>
      tpu.vector_store %arg6[%swap3A_60, %swap3A_61], %broadcast_in_dim3A_59 {strides = array<i32>} : memref<256x64xf32, #tpu.memory_space<vmem>>, vector<256x64xf32>,
      %broadcast_in_dim3A_63 = arith.constant 0.000000e+00 : f32
      %broadcast_in_dim3A_64 = vector.broadcast %broadcast_in_dim3A_63 : f32 to vector<256x1xf32>
      %swap3A_65 = arith.constant 0 : index
      %swap3A_66 = arith.constant 0 : index
      %swap3A_67 = vector.load %arg7[%swap3A_65, %swap3A_66] : memref<256x1xf32, #tpu.memory_space<vmem>>, vector<256x1xf32>
      tpu.vector_store %arg7[%swap3A_65, %swap3A_66], %broadcast_in_dim3A_64 {strides = array<i32>} : memref<256x1xf32, #tpu.memory_space<vmem>>, vector<256x1xf32>,
    } else {
    }
    %get3A_42 = arith.constant 0 : index
    %get3A_43 = arith.constant 0 : index
    %get3A_44 = vector.load %arg6[%get3A_42, %get3A_43] : memref<256x64xf32, #tpu.memory_space<vmem>>, vector<256x64xf32>
    %dot_general3A = arith.constant dense<0.000000e+00> : vector<256x64xf32>
    %dot_general3A_45 = tpu.matmul %convert_element_type3A_37, %max3A_30, %dot_general3A {dimension_numbers = #tpu.dot_dimension_numbers<[1], [0], [0], [1], [0, 0, 1, 1], [], []>, transpose_lhs_hint = false} : vector<256x256xf32>, vector<256x64xf32>, vector<256x64xf32> -> vector<256x64xf32>
    %add3A_46 = arith.addf %get3A_44, %dot_general3A_45 : vector<256x64xf32>
    %swap3A = arith.constant 0 : index
    %swap3A_47 = arith.constant 0 : index
    %swap3A_48 = vector.load %arg6[%swap3A, %swap3A_47] : memref<256x64xf32, #tpu.memory_space<vmem>>, vector<256x64xf32>
    tpu.vector_store %arg6[%swap3A, %swap3A_47], %add3A_46 {strides = array<i32>} : memref<256x64xf32, #tpu.memory_space<vmem>>, vector<256x64xf32>,
    %get3A_49 = arith.constant 0 : index
    %get3A_50 = arith.constant 0 : index
    %get3A_51 = vector.load %arg7[%get3A_49, %get3A_50] : memref<256x1xf32, #tpu.memory_space<vmem>>, vector<256x1xf32>
    %reduce_sum3A = arith.constant dense<0.000000e+00> : vector<256xf32>
    %reduce_sum3A_52 = vector.multi_reduction <add>, %convert_element_type3A_37, %reduce_sum3A [1] : vector<256x256xf32> to vector<256xf32>
    %broadcast_in_dim3A_53 = vector.shape_cast %reduce_sum3A_52 : vector<256xf32> to vector<256x1xf32>
    %add3A_54 = arith.addf %get3A_51, %broadcast_in_dim3A_53 : vector<256x1xf32>
    %swap3A_55 = arith.constant 0 : index
    %swap3A_56 = arith.constant 0 : index
    %swap3A_57 = vector.load %arg7[%swap3A_55, %swap3A_56] : memref<256x1xf32, #tpu.memory_space<vmem>>, vector<256x1xf32>
    tpu.vector_store %arg7[%swap3A_55, %swap3A_56], %add3A_54 {strides = array<i32>} : memref<256x1xf32, #tpu.memory_space<vmem>>, vector<256x1xf32>,
    return
  }
  func.func @transform_0(%arg0: i32) -> (i32, i32, i32) {
    %c0_i32 = arith.constant 0 : i32
    %c0_i32_0 = arith.constant 0 : i32
    %c0_i32_1 = arith.constant 0 : i32
    return %c0_i32, %arg0, %c0_i32_0 : i32, i32, i32
  }
  func.func @transform_1(%arg0: i32) -> (i32, i32) {
    %c0_i32 = arith.constant 0 : i32
    %c0_i32_0 = arith.constant 0 : i32
    return %arg0, %c0_i32 : i32, i32
  }
  func.func @transform_2(%arg0: i32) -> (i32, i32, i32) {
    %c0_i32 = arith.constant 0 : i32
    %c0_i32_0 = arith.constant 0 : i32
    %c0_i32_1 = arith.constant 0 : i32
    return %c0_i32, %arg0, %c0_i32_0 : i32, i32, i32
  }
  func.func @transform_3(%arg0: i32) -> (i32, i32) {
    %c0_i32 = arith.constant 0 : i32
    %c0_i32_0 = arith.constant 0 : i32
    %c0_i32_1 = arith.constant 0 : i32
    return %c0_i32, %c0_i32_0 : i32, i32
  }
  func.func @transform_4(%arg0: i32) -> (i32, i32, i32) {
    %c0_i32 = arith.constant 0 : i32
    %c0_i32_0 = arith.constant 0 : i32
    %c0_i32_1 = arith.constant 0 : i32
    return %arg0, %c0_i32, %c0_i32_0 : i32, i32, i32
  }
  func.func @transform_5(%arg0: i32) -> (i32, i32) {
    %c0_i32 = arith.constant 0 : i32
    %c0_i32_0 = arith.constant 0 : i32
    %c0_i32_1 = arith.constant 0 : i32
    return %c0_i32, %c0_i32_0 : i32, i32
  }
  func.func @transform_6(%arg0: i32) -> (i32, i32) {
    %c0_i32 = arith.constant 0 : i32
    %c0_i32_0 = arith.constant 0 : i32
    %c0_i32_1 = arith.constant 0 : i32
    return %c0_i32, %c0_i32_0 : i32, i32
  }
}

module attributes {stable_mosaic.version = 14 : i64} {
  func.func @_tc4_body(%arg0: i32, %arg1: memref<256x64xf32, #tpu.memory_space<vmem>>, %arg2: memref<256x1xf32, #tpu.memory_space<vmem>>, %arg3: memref<64x128xf32, #tpu.memory_space<vmem>>, %arg4: memref<1x128xf32, #tpu.memory_space<vmem>>, %arg5: memref<128x128xf32, #tpu.memory_space<vmem>>, %arg6: memref<1x128xf32, #tpu.memory_space<vmem>>, %arg7: memref<256x128xf32, #tpu.memory_space<vmem>>) attributes {dimension_semantics = [#tpu.dimension_semantics<arbitrary>], iteration_bounds = array<i64: 1>, scalar_prefetch = 0 : i64, scratch_operands = 0 : i64, tpu.core_type = #tpu.core_type<tc>, window_params = [{pipeline_mode = #tpu.pipeline_mode<synchronous>, transform_indices = @transform_0, window_bounds = array<i64: 256, 64>}, {pipeline_mode = #tpu.pipeline_mode<synchronous>, transform_indices = @transform_1, window_bounds = array<i64: 256, 1>}, {pipeline_mode = #tpu.pipeline_mode<synchronous>, transform_indices = @transform_2, window_bounds = array<i64: 64, 128>}, {pipeline_mode = #tpu.pipeline_mode<synchronous>, transform_indices = @transform_3, window_bounds = array<i64: 1, 128>}, {pipeline_mode = #tpu.pipeline_mode<synchronous>, transform_indices = @transform_4, window_bounds = array<i64: 128, 128>}, {pipeline_mode = #tpu.pipeline_mode<synchronous>, transform_indices = @transform_5, window_bounds = array<i64: 1, 128>}, {pipeline_mode = #tpu.pipeline_mode<synchronous>, transform_indices = @transform_6, window_bounds = array<i64: 256, 128>}]} {
    %get3A = arith.constant 0 : index
    %get3A_0 = arith.constant 0 : index
    %get3A_1 = vector.load %arg1[%get3A, %get3A_0] : memref<256x64xf32, #tpu.memory_space<vmem>>, vector<256x64xf32>
    %get3A_2 = arith.constant 0 : index
    %get3A_3 = arith.constant 0 : index
    %get3A_4 = vector.load %arg2[%get3A_2, %get3A_3] : memref<256x1xf32, #tpu.memory_space<vmem>>, vector<256x1xf32>
    %max3A = arith.constant 1.000000e+00 : f32
    %max3A_5 = vector.broadcast %max3A : f32 to vector<256x1xf32>
    %max3A_6 = arith.maximumf %get3A_4, %max3A_5 : vector<256x1xf32>
    %div3A = vector.broadcast %max3A_6 : vector<256x1xf32> to vector<256x64xf32>
    %div3A_7 = arith.divf %get3A_1, %div3A : vector<256x64xf32>
    %get3A_8 = arith.constant 0 : index
    %get3A_9 = arith.constant 0 : index
    %get3A_10 = vector.load %arg3[%get3A_8, %get3A_9] : memref<64x128xf32, #tpu.memory_space<vmem>>, vector<64x128xf32>
    %dot_general3A = arith.constant dense<0.000000e+00> : vector<256x128xf32>
    %dot_general3A_11 = tpu.matmul %div3A_7, %get3A_10, %dot_general3A {dimension_numbers = #tpu.dot_dimension_numbers<[1], [0], [0], [1], [0, 0, 1, 1], [], []>, transpose_lhs_hint = false} : vector<256x64xf32>, vector<64x128xf32>, vector<256x128xf32> -> vector<256x128xf32>
    %get3A_12 = arith.constant 0 : index
    %get3A_13 = arith.constant 0 : index
    %get3A_14 = vector.load %arg4[%get3A_12, %get3A_13] : memref<1x128xf32, #tpu.memory_space<vmem>>, vector<1x128xf32>
    %add3A = vector.broadcast %get3A_14 : vector<1x128xf32> to vector<256x128xf32>
    %add3A_15 = arith.addf %dot_general3A_11, %add3A : vector<256x128xf32>
    %max3A_16 = arith.constant 0.000000e+00 : f32
    %max3A_17 = vector.broadcast %max3A_16 : f32 to vector<256x128xf32>
    %max3A_18 = arith.maximumf %add3A_15, %max3A_17 : vector<256x128xf32>
    %get3A_19 = arith.constant 0 : index
    %get3A_20 = arith.constant 0 : index
    %get3A_21 = vector.load %arg5[%get3A_19, %get3A_20] : memref<128x128xf32, #tpu.memory_space<vmem>>, vector<128x128xf32>
    %dot_general3A_22 = arith.constant dense<0.000000e+00> : vector<256x128xf32>
    %dot_general3A_23 = tpu.matmul %max3A_18, %get3A_21, %dot_general3A_22 {dimension_numbers = #tpu.dot_dimension_numbers<[1], [0], [0], [1], [0, 0, 1, 1], [], []>, transpose_lhs_hint = false} : vector<256x128xf32>, vector<128x128xf32>, vector<256x128xf32> -> vector<256x128xf32>
    %get3A_24 = arith.constant 0 : index
    %get3A_25 = arith.constant 0 : index
    %get3A_26 = vector.load %arg6[%get3A_24, %get3A_25] : memref<1x128xf32, #tpu.memory_space<vmem>>, vector<1x128xf32>
    %add3A_27 = vector.broadcast %get3A_26 : vector<1x128xf32> to vector<256x128xf32>
    %add3A_28 = arith.addf %dot_general3A_23, %add3A_27 : vector<256x128xf32>
    %neg3A = arith.constant 0.000000e+00 : f32
    %neg3A_29 = vector.broadcast %neg3A : f32 to vector<256x128xf32>
    %neg3A_30 = arith.subf %neg3A_29, %add3A_28 : vector<256x128xf32>
    %exp3A = math.exp %neg3A_30 : vector<256x128xf32>
    %add3A_31 = arith.constant 1.000000e+00 : f32
    %add3A_32 = vector.broadcast %add3A_31 : f32 to vector<256x128xf32>
    %add3A_33 = arith.addf %add3A_32, %exp3A : vector<256x128xf32>
    %div3A_34 = arith.constant 1.000000e+00 : f32
    %div3A_35 = vector.broadcast %div3A_34 : f32 to vector<256x128xf32>
    %div3A_36 = arith.divf %div3A_35, %add3A_33 : vector<256x128xf32>
    %swap3A = arith.constant 0 : index
    %swap3A_37 = arith.constant 0 : index
    %swap3A_38 = vector.load %arg7[%swap3A, %swap3A_37] : memref<256x128xf32, #tpu.memory_space<vmem>>, vector<256x128xf32>
    tpu.vector_store %arg7[%swap3A, %swap3A_37], %div3A_36 {strides = array<i32>} : memref<256x128xf32, #tpu.memory_space<vmem>>, vector<256x128xf32>,
    return
  }
  func.func @transform_0(%arg0: i32) -> (i32, i32) {
    %c0_i32 = arith.constant 0 : i32
    %c0_i32_0 = arith.constant 0 : i32
    %c0_i32_1 = arith.constant 0 : i32
    return %c0_i32, %c0_i32_0 : i32, i32
  }
  func.func @transform_1(%arg0: i32) -> (i32, i32) {
    %c0_i32 = arith.constant 0 : i32
    %c0_i32_0 = arith.constant 0 : i32
    %c0_i32_1 = arith.constant 0 : i32
    return %c0_i32, %c0_i32_0 : i32, i32
  }
  func.func @transform_2(%arg0: i32) -> (i32, i32) {
    %c0_i32 = arith.constant 0 : i32
    %c0_i32_0 = arith.constant 0 : i32
    %c0_i32_1 = arith.constant 0 : i32
    return %c0_i32, %c0_i32_0 : i32, i32
  }
  func.func @transform_3(%arg0: i32) -> (i32, i32) {
    %c0_i32 = arith.constant 0 : i32
    %c0_i32_0 = arith.constant 0 : i32
    %c0_i32_1 = arith.constant 0 : i32
    return %c0_i32, %c0_i32_0 : i32, i32
  }
  func.func @transform_4(%arg0: i32) -> (i32, i32) {
    %c0_i32 = arith.constant 0 : i32
    %c0_i32_0 = arith.constant 0 : i32
    %c0_i32_1 = arith.constant 0 : i32
    return %c0_i32, %c0_i32_0 : i32, i32
  }
  func.func @transform_5(%arg0: i32) -> (i32, i32) {
    %c0_i32 = arith.constant 0 : i32
    %c0_i32_0 = arith.constant 0 : i32
    %c0_i32_1 = arith.constant 0 : i32
    return %c0_i32, %c0_i32_0 : i32, i32
  }
  func.func @transform_6(%arg0: i32) -> (i32, i32) {
    %c0_i32 = arith.constant 0 : i32
    %c0_i32_0 = arith.constant 0 : i32
    %c0_i32_1 = arith.constant 0 : i32
    return %c0_i32, %c0_i32_0 : i32, i32
  }
}

</mosaic_0001>

<sc_bundles>
// kernel: kernel.12.cloned.1.call-start
scs
__scs_entry_jumppad:
0x0: {  	(pc) =	sbr.rel $0x88, $3  }
0x1: {  	(tag) =	ssettag $0x0;
	lr =	simm.s32 $0x1  }
0x2: {  	[smem:$0x3F96] =	sst lr;
	_ =	strace $0xD0000000  }
0x3: {  	_ = 	snop  }
0x4: {  	_ = 	snop  }
0x5: {  	_ = 	snop  }
0x6: {  	_ = 	snop  }
0x7: {  	_ = 	snop  }
__scs_overlays_trampoline_lowered:
0x8: {  	[smem:$0x3FA5] =	sst s0  }
0x9: {  	[smem:$0x3FA6] =	sst s1  }
0xa: {  	[smem:$0x3FA7] =	sst s2  }
0xb: {  	[smem:$0x3FA8] =	sst s3  }
0xc: {  	[smem:$0x3FA9] =	sst s4  }
0xd: {  	[smem:$0x3FAA] =	sst s5  }
0xe: {  	[smem:$0x3FAB] =	sst s6  }
0xf: {  	[smem:$0x3FAC] =	sst s7  }
0x10: {  	[smem:$0x3FAD] =	sst s8  }
0x11: {  	[smem:$0x3FAE] =	sst s9;
	s0 =	simm.s32 @!p0 $0x0  }
0x12: {  	s1 =	sld [smem:$0x3F94];
	s0 =	simm.s32 @p0 $0x1  }
0x13: {  	[smem:$0x3FAF] =	sst s0;
	s0 =	simm.s32 @!p1 $0x0  }
0x14: {  	s2 =	sld [smem:$0x3F93];
	s0 =	simm.s32 @p1 $0x1  }
0x15: {  	[smem:$0x3FB0] =	sst s0;
	s0 =	simm.s32 @!p2 $0x0  }
0x16: {  	s3 =	sld [smem:$0x3FDB];
	s0 =	simm.s32 @p2 $0x1  }
0x17: {  	s4 =	simm.s32 $0x1BF5;
	[smem:$0x3FB2] =	sst s0  }
0x18: {  	s0 =	sld [smem:$0x3F95];
	_ =	swait.ge [sflag:s4], $0x0  }
0x19: {  	s7 =	sld [smem:$0x3F96]  }
0x1a: {  	s8 =	sadd.s32 $0xFFFFE003, lr  }
0x1b: {  	s9 =	sadd.s32 $0xFFFFFEF7, lr;
	s5 =	simm.s32 $0xFFFFFFFF;
	p2 =	slt.u32 s8, $0xFFFFF086  }
0x1c: {  	p1 =	slt.u32 s9, $0xF7A;
	s5 =	simm.s32 @!p2 $0x0  }
0x1d: {  	s5 =	simm.s32 @p1 $0x1;
	p0 =	seq.s32 s7, s2  }
0x1e: {  	s7 =	smul.u32 @!p0 $0xF7A, s2;
	p2 =	seq.s32 @!p0 s5, $0x0  }
0x1f: {  	s9 =	smul.u32 $0xF7A, s1;
	s8 =	simm.s32 @!p0 $0x1BF5;
	p2 =	por !p2, p0  }
0x20: {  	[sflag:s8] =	ssyncset.s32 @!p0 $0xFFFFF086;
	s6 =	sadd.s32 @!p0 s3, s7;
	s7 =	simm.s32 @!p0 $0x108  }
0x21: {  	s3 =	sadd.s32 s3, s9;
	s6 =	sadd.s32 @!p0 $0x88, s6;
	s7 =	simm.s32 @p2 $0x1082  }
0x22: {  	[simem:s7], [sflag:s8] =	dma.local @!p0 [hbm:s6], $0xF7A  }
0x23: {  	s9 =	sor.u32 $0xD0000000, s2;
	s6 =	simm.s32 $0x108;
	_ =	swait.ge @!p0 [sflag:s8], $0x0  }
0x24: {  	s3 =	sadd.s32 $0x88, s3;
	s6 =	simm.s32 @!p1 $0x1082;
	[sflag:s4] =	ssyncset.s32 $0xFFFFF086  }
0x25: {  	[simem:s6], [sflag:s4] =	dma.local [hbm:s3], $0xF7A  }
0x26: {  	[smem:$0x3F96] =	sst s1;
	(tag) =	ssettag s2;
	_ =	strace s9  }
0x27: {  	s1 =	sld [smem:$0x3FA6]  }
0x28: {  	s2 =	sld [smem:$0x3FA7]  }
0x29: {  	s4 =	sld [smem:$0x3FA9]  }
0x2a: {  	p0 =	seq.s32 s5, $0x0;
	s5 =	sld [smem:$0x3FAA]  }
0x2b: {  	s6 =	sld [smem:$0x3FAB]  }
0x2c: {  	s7 =	sld [smem:$0x3FAC]  }
0x2d: {  	s3 =	simm.s32 $0x108;
	s8 =	sld [smem:$0x3FAD]  }
0x2e: {  	s3 =	simm.s32 @!p0 $0x1082;
	s9 =	sld [smem:$0x3FAE]  }
0x2f: {  	lr =	sadd.s32 s0, s3;
	s0 =	sld [smem:$0x3FA5]  }
0x30: {  	s3 =	sld [smem:$0x3FA8]  }
0x31: {  	[smem:$0x3FB1] =	sst s10  }
0x32: {  	s10 =	sld [smem:$0x3FAF];
	_ =	sdelay $0x3  }
0x33: {  	p0 =	seq.s32 s10, $0x1;
	s10 =	sld [smem:$0x3FB1];
	_ =	sdelay $0x3  }
0x34: {  	[smem:$0x3FB1] =	sst s10  }
0x35: {  	s10 =	sld [smem:$0x3FB0];
	_ =	sdelay $0x3  }
0x36: {  	p1 =	seq.s32 s10, $0x1;
	s10 =	sld [smem:$0x3FB1];
	_ =	sdelay $0x3  }
0x37: {  	[smem:$0x3FB1] =	sst s10  }
0x38: {  	s10 =	sld [smem:$0x3FB2]  }
0x39: {  	_ = 	snop;
	(pc) =	sbr.ind lr, $3  }
0x3a: {  	_ = 	snop  }
0x3b: {  	_ = 	snop  }
0x3c: {  	p2 =	seq.s32 s10, $0x1;
	s10 =	sld [smem:$0x3FB1]  }
0x3d: {  	_ =	shalt  }
0x3e: {  	_ =	shalt  }
0x3f: {  	_ =	shalt  }
0x40: {  	_ =	shalt  }
0x41: {  	_ =	shalt  }
0x42: {  	_ =	shalt  }
0x43: {  	_ =	shalt  }
0x44: {  	_ =	shalt  }
0x45: {  	_ =	shalt  }
0x46: {  	_ =	shalt  }
0x47: {  	_ =	shalt  }
0x48: {  	_ =	shalt  }
0x49: {  	_ =	shalt  }
0x4a: {  	_ =	shalt  }
0x4b: {  	_ =	shalt  }
0x4c: {  	_ =	shalt  }
0x4d: {  	_ =	shalt  }
0x4e: {  	_ =	shalt  }
0x4f: {  	_ =	shalt  }
0x50: {  	_ =	shalt  }
0x51: {  	_ =	shalt  }
0x52: {  	_ =	shalt  }
0x53: {  	_ =	shalt  }
0x54: {  	_ =	shalt  }
0x55: {  	_ =	shalt  }
0x56: {  	_ =	shalt  }
0x57: {  	_ =	shalt  }
0x58: {  	_ =	shalt  }
0x59: {  	_ =	shalt  }
0x5a: {  	_ =	shalt  }
0x5b: {  	_ =	shalt  }
0x5c: {  	_ =	shalt  }
0x5d: {  	_ =	shalt  }
0x5e: {  	_ =	shalt  }
0x5f: {  	_ =	shalt  }
0x60: {  	_ =	shalt  }
0x61: {  	_ =	shalt  }
0x62: {  	_ =	shalt  }
0x63: {  	_ =	shalt  }
0x64: {  	_ =	shalt  }
0x65: {  	_ =	shalt  }
0x66: {  	_ =	shalt  }
0x67: {  	_ =	shalt  }
0x68: {  	_ =	shalt  }
0x69: {  	_ =	shalt  }
0x6a: {  	_ =	shalt  }
0x6b: {  	_ =	shalt  }
0x6c: {  	_ =	shalt  }
0x6d: {  	_ =	shalt  }
0x6e: {  	_ =	shalt  }
0x6f: {  	_ =	shalt  }
0x70: {  	_ =	shalt  }
0x71: {  	_ =	shalt  }
0x72: {  	_ =	shalt  }
0x73: {  	_ =	shalt  }
0x74: {  	_ =	shalt  }
0x75: {  	_ =	shalt  }
0x76: {  	_ =	shalt  }
0x77: {  	_ =	shalt  }
0x78: {  	_ =	shalt  }
0x79: {  	_ =	shalt  }
0x7a: {  	_ =	shalt  }
0x7b: {  	_ =	shalt  }
0x7c: {  	_ =	shalt  }
0x7d: {  	_ =	shalt  }
0x7e: {  	_ =	shalt  }
0x7f: {  	_ =	shalt  }
0x80: {  	_ =	shalt  }
0x81: {  	_ =	shalt  }
0x82: {  	_ =	shalt  }
0x83: {  	_ =	shalt  }
0x84: {  	_ =	shalt  }
0x85: {  	_ =	shalt  }
0x86: {  	_ =	shalt  }
0x87: {  	_ =	shalt  }
.Lfunc_end0:
.L_simem_size_0:
called_computation.1_lowered:
.L_overlay_start_0:
0x88: {  	s2 =	sld [smem:$0x3FD9]  }
0x89: {  	s3 =	sld [smem:$0x3FFE];
	_ =	sdelay $0x1  }
0x8a: {  	s1 =	srdreg.scid  }
0x8b: {  	s0 =	sand.u32 $0x1, s1  }
0x8c: {  	s16 =	sshll.u32 s0, $0xA;
	s2 =	sadd.s32 s3, s2  }
0x8d: {  	s2 =	sadd.s32 s2, s16  }
0x8e: {  	[smem:$0x3FBD] =	sst s2  }
0x8f: {  	_ = 	snop  }
0x90: {  	(tm) =	ssettm $0x1  }
0x91: {  	s17 =	sld [smem:$0x3FFB];
	_ =	sdelay $0x3  }
0x92: {  	_ =	strace s17  }
0x93: {  	s2 =	sld [smem:$0x3FFC];
	_ =	sdelay $0x3  }
0x94: {  	_ =	strace s2  }
0x95: {  	s2 =	sld [smem:$0x3FFD];
	_ =	sdelay $0x3  }
0x96: {  	_ =	strace s2  }
0x97: {  	_ =	strace $0x8FFFFFFF  }
0x98: {  	s18 =	sld [smem:$0x3FDB];
	_ =	sdelay $0x1  }
0x99: {  	s19 =	simm.s32 $_scs_section_size  }
0x9a: {  	s4 =	simm.s32 $_size__tile_overlayer_lowered;
	s5 =	simm.s32 $_tile_overlayer_lowered  }
0x9b: {  	s22 =	simm.s32 $0x1BFF;
	s21 =	sshll.u32 s5, $0x1;
	s2 =	sadd.s32 s19, s18  }
0x9c: {  	s6 =	simm.s32 $0x0;
	s20 =	sshll.u32 s4, $0x1;
	s4 =	sadd.s32 s21, s2  }
0x9d: {  	[timem:s6], [sflag:s22] =	dma.local [hbm:s4], s20  }
0x9e: {  	_ =	swait.ge [sflag:s22], s20  }
0x9f: {  	s3 =	ssub.s32 $0x0, s20;
	[sflag:s22] =	ssyncset.done $0x0  }
0xa0: {  	[sflag:s22] =	ssyncadd.s32 s3;
	_ =	sdelay $0x1  }
0xa1: {  	s23 =	simm.s32 $0x1B8B  }
0xa2: {  	_ =	swait.ge [sflag:s23], $0x1  }
0xa3: {  	[sflag:s23] =	ssyncset.done $0x0  }
0xa4: {  	s25 =	simm.s32 $0x1B8E;
	s24 =	sld [smem:$0x3FFE];
	[sflag:s23] =	ssyncadd.s32 $0xFFFFFFFF  }
0xa5: {  	s26 =	simm.s32 $execute0_lowered;
	[smem:$0x3FD2] =	sst s25  }
0xa6: {  	s4 =	sshll.u32 s26, $0x1;
	_ =	strace $0x80000049;
	[dreg:$0x1] =	wrdreg $0xFFFFFFFF  }
0xa7: {  	s28 =	simm.s32 $_size_execute0_lowered;
	s2 =	sadd.s32 s2, s4;
	[dreg:$0x0] =	wrdreg $0x0  }
0xa8: {  	s4 =	sshll.u32 s28, $0x1;
	[dreg:$0x2] =	wrdreg s2  }
0xa9: {  	[dreg:$0x3] =	wrdreg s4  }
0xaa: {  	[dreg:$0x4] =	wrdreg $0xC0  }
0xab: {  	_ =	task [dreg:s6], $0x5FFFF  }
0xac: {  	[dreg:$0x1] =	wrdreg $0xFFFFFFFF  }
0xad: {  	[dreg:$0x0] =	wrdreg $0x60  }
0xae: {  	[dreg:$0x2] =	wrdreg s24  }
0xaf: {  	[dreg:$0x3] =	wrdreg $0x72000  }
0xb0: {  	[dreg:$0x4] =	wrdreg $0x9  }
0xb1: {  	_ =	task.clear_ibuf [dreg:s6], $0x5FFFF;
	_ =	strace $0x90000049  }
0xb2: {  	s29 =	simm.s32 $0x9;
	_ =	strace $0x8000004B  }
0xb3: {  	_ =	swait.ge [sflag:s29], $0x1  }
0xb4: {  	[sflag:s29] =	ssyncadd.s32 $0xFFFFFFFF  }
0xb5: {  	_ =	strace $0x9000004B  }
0xb6: {  	_ =	sfence  }
0xb7: {  	s30 =	sld [smem:$0x0];
	_ =	sdelay $0x2  }
0xb8: {  	s31 =	sshll.u32 s1, $0xD;
	s1 =	sshrl.u32 s1, $0x2  }
0xb9: {  	s3 =	sand.u32 $0x4000, s31;
	s1 =	sadd.s32 s1, s30  }
0xba: {  	s0 =	sor.u32 s3, s0;
	s1 =	sshll.u32 s1, $0x11  }
0xbb: {  	s0 =	sor.u32 s1, s0  }
0xbc: {  	s0 =	sadd.s32 $0x8F2B, s0  }
0xbd: {  	[sflag:s0] =	ssyncadd.remote.s32 $0x1  }
0xbe: {  	_ =	sfence.sel $0xFFFF  }
0xbf: {  	[dreg:$0x0] =	wrdreg $0xFFFFFFFF;
	(pc) =	sbr.abs _section_cstart, $3  }
0xc0: {  	[dreg:$0x1] =	wrdreg $0xFFFFFFFF  }
0xc1: {  	_ =	task.clear_ibuf [dreg:s6], $0x2FFFF;
	_ =	strace $0x9FFFFFFF  }
0xc2: {  	(tm) =	ssettm $0x7FFFFFFF  }
0xc3: {  	_ =	shalt  }
tec
execute0_lowered:
.L_overlay_start_1:
0x0: {  	(tag) =	ssettag $0x1  }
0x1: {  	s6 =	rddreg [dreg:$0x0]  }
0x2: {  	s0 =	srdreg.scid;
	s2 =	rddreg [dreg:$0x1]  }
0x3: {  	s3 =	simm.s32 $0x0;
	s14 =	simm.s32 $0x80;
	s15 =	simm.s32 $0x5200  }
0x4: {  	s16 =	simm.s32 $0x1;
	s5 =	sand.u32 $0x1, s0;
	s0 =	stileid.u32  }
0x5: {  	s17 =	simm.s32 $0x0;
	[smem:$0x7FF] =	sst s3;
	s7 =	smul.u32 $0xA000, s0  }
0x6: {  	s1 =	sshll.u32 s5, $0x4;
	s8 =	smul.u32 $0xA0000, s5;
	s5 =	ssub.s32 $0x2, s5  }
0x7: {  	s31 =	sshll.u32 s0, $0x6;
	s1 =	sor.u32 s0, s1;
	s11 =	sshrl.u32 s5, $0x1  }
0x8: {  	s4 =	smul.u32 $0x520, s1;
	s1 =	rddreg [dreg:$0x2];
	_ =	strace $0x8000004A  }
0x9: {  	s8 =	sadd.s32 s7, s8;
	s10 =	sshrl.u32 s7, $0x3;
	s11 =	ssub.s32 s5, s11  }
0xa: {  	s13 =	sadd.s32 s7, s2;
	s8 =	sshrl.u32 s8, $0x3;
	s10 =	sadd.s32 s10, s6  }
0xb: {  	s9 =	sadd.s32 s4, s6;
	s4 =	sadd.s32 $0x9D200, s6;
	s12 =	sadd.s32 s8, s6  }
0xc: {  	s5 =	sadd.s32 $0xB1200, s10;
	s6 =	sor.u32 $0x1C02, s31;
	s10 =	smax.u32 s11, $0x1  }
0xd: {  	s11 =	sshrl.u32 s13, $0x3;
	s13 =	simm.s32 $0x2900;
	s7 =	sadd.s32 $0x1AE00, s9  }
0xe: {  	s8 =	sadd.s32 $0x1800, s9;
	s9 =	sadd.s32 $0xC5200, s12;
	s12 =	simm.s32 $0x2  }
.LBB2_1:
0xf: {  	[spmem:s11], [sflag:s6] =	dma.local [hbm:s5], $0x1400  }
0x10: {  	_ =	swait.ge [sflag:s12], $0x1400  }
0x11: {  	[sflag:s12] =	ssyncset.done $0x0  }
0x12: {  	[sflag:s12] =	ssyncadd.s32 $0xFFFFEC00  }
0x13: {  	[tilespmem:s3], [sflag:$0x2] =	stream.linear.gather [hbm4b:s7+s3], $0x2900, $0x38;
	[tilespmem:$0x11200] =	vst v63  }
0x14: {  	_ =	swait.ge [sflag:s12], $0x2900  }
0x15: {  	[sflag:s12] =	ssyncset.done $0x0  }
0x16: {  	[sflag:s12] =	ssyncadd.s32 $0xFFFFD700  }
0x17: {  	[tilespmem:s13], [sflag:$0x2] =	stream.linear.gather [hbm4b:s8+s3], $0x2900, $0x38;
	[tilespmem:$0x11200] =	vst v63  }
0x18: {  	_ =	swait.ge [sflag:s12], $0x2900  }
0x19: {  	[sflag:s12] =	ssyncset.done $0x0  }
0x1a: {  	[sflag:s12] =	ssyncadd.s32 $0xFFFFD700  }
0x1b: {  	s18 =	simm.s32 $0x0;
	[bflag:$0x0] =	sbarrier.arrive $0xFFFF  }
0x1c: {  	[tilespmem:s15], [sflag:$0x1] =	stream.indirect.gather [hbm4b:s4+s14], $0x40, s18, s14, $0xb8;
	[tilespmem:$0x11200] =	vst v63  }
0x1d: {  	_ =	swait.ge [sflag:s16], $0x2000  }
0x1e: {  	[sflag:s16] =	ssyncset.done $0x0  }
0x1f: {  	s31 =	simm.s32 $0x2900;
	[sflag:s16] =	ssyncadd.s32 $0xFFFFE000  }
0x20: {  	[spmem:s2] =	stream.indirect.scatter.add.f32 [tilespmem:s15], [sflag:$0x2], $0x40, s31, s14, $0xb8;
	[tilespmem:$0x11200] =	vst v63  }
0x21: {  	_ =	swait.ge [sflag:s12], $0x2000  }
0x22: {  	s19 =	simm.s32 $0x400;
	s18 =	simm.s32 $0x200;
	[sflag:s12] =	ssyncset.done $0x0  }
.LBB2_2:
0x23: {  	s20 =	sshra.s32 s18, $0x2  }
0x24: {  	[sflag:s12] =	ssyncadd.s32 $0xFFFFE000;
	s18 =	smov.u32 s19;
	s21 =	sadd.s32 $0x200, s19  }
0x25: {  	[tilespmem:s15], [sflag:$0x1] =	stream.indirect.gather [hbm4b:s4+s14], $0x40, s20, s14, $0xb8;
	[tilespmem:$0x11200] =	vst v63  }
0x26: {  	p0 =	sne.s32 s19, $0x9E00;
	_ =	swait.ge [sflag:s16], $0x2000  }
.Ltmp0:
0x27: {  	[sflag:s16] =	ssyncset.done $0x0;
	(pc) =	sbr.rel @p0 .LBB2_2-.Ltmp0, $4  }
0x28: {  	s19 =	sadd.s32 $0x2900, s20;
	[sflag:s16] =	ssyncadd.s32 $0xFFFFE000  }
0x29: {  	[spmem:s2] =	stream.indirect.scatter.add.f32 [tilespmem:s15], [sflag:$0x2], $0x40, s19, s14, $0xb8;
	[tilespmem:$0x11200] =	vst v63  }
0x2a: {  	_ =	swait.ge [sflag:s12], $0x2000  }
0x2b: {  	s19 =	smov.u32 s21;
	[sflag:s12] =	ssyncset.done $0x0  }
0x2c: {  	s18 =	sshra.s32 s18, $0x2;
	[sflag:s12] =	ssyncadd.s32 $0xFFFFE000  }
0x2d: {  	[tilespmem:s15], [sflag:$0x1] =	stream.indirect.gather [hbm4b:s4+s14], $0x40, s18, s14, $0xb8;
	[tilespmem:$0x11200] =	vst v63  }
0x2e: {  	_ =	swait.ge [sflag:s16], $0x2000  }
0x2f: {  	[sflag:s16] =	ssyncset.done $0x0  }
0x30: {  	s18 =	sadd.s32 $0x2900, s18;
	[sflag:s16] =	ssyncadd.s32 $0xFFFFE000  }
0x31: {  	[spmem:s2] =	stream.indirect.scatter.add.f32 [tilespmem:s15], [sflag:$0x2], $0x40, s18, s14, $0xb8;
	[tilespmem:$0x11200] =	vst v63  }
0x32: {  	_ =	swait.ge [sflag:s12], $0x2000  }
0x33: {  	s17 =	sadd.s32 $0x1, s17;
	[sflag:s12] =	ssyncset.done $0x0  }
0x34: {  	p0 =	sne.s32 s17, s10;
	[sflag:s12] =	ssyncadd.s32 $0xFFFFE000  }
.Ltmp1:
0x35: {  	[bflag:$0x0] =	sbarrier.arrive $0xFFFF;
	(pc) =	sbr.rel @p0 .LBB2_1-.Ltmp1, $4  }
0x36: {  	[hbm:s9], [sflag:s6] =	dma.local [spmem:s11], $0x1400  }
0x37: {  	_ =	swait.ge [sflag:s12], $0x1400  }
0x38: {  	[sflag:s12] =	ssyncset.done $0x0  }
0x39: {  	[sflag:s12] =	ssyncadd.s32 $0xFFFFEC00  }
0x3a: {  	_ =	sfence.sel $0x180000  }
0x3b: {  	[bflag:$0x0] =	sbarrier.arrive $0xFFFF  }
0x3c: {  	p0 =	sne.s32 s0, $0x0;
	_ =	strace $0x9000004A  }
0x3d: {  	s0 =	sadd.s32 @!p0 $0x100000, s1;
	[bflag:$0x2] =	sbarrier.arrive $0xFFFF  }
0x3e: {  	[sflag:s0] =	ssyncadd.tile.s32 @!p0 $0x1;
	_ =	shalt  }
.Lfunc_end2:
_tile_overlayer_lowered:
.L_overlay_start_2:
0x3f: {  	(tag) =	ssettag $0x2  }
0x40: {  	s0 =	rddreg [dreg:$0x0];
	s2 =	stileid.u32  }
0x41: {  	s1 =	rddreg [dreg:$0x1];
	p0 =	sne.s32 s2, $0x0  }
0x42: {  	s3 =	rddreg [dreg:$0x2];
	[bflag:$0x3] =	sbarrier.arrive $0xFFFF;
	s2 =	simm.s32 @!p0 $0x1C02  }
0x43: {  	[timem:s3], [sflag:s2] =	dma.local @!p0 [hbm:s0], s1  }
0x44: {  	s0 =	simm.s32 @!p0 $0x2  }
0x45: {  	_ =	swait.ge @!p0 [sflag:s0], s1  }
0x46: {  	s1 =	ssub.s32 @!p0 $0x0, s1;
	[sflag:s0] =	ssyncset.done @!p0 $0x0  }
0x47: {  	[sflag:s0] =	ssyncadd.s32 @!p0 s1  }
0x48: {  	[bflag:$0x3] =	sbarrier.arrive $0xFFFF  }
0x49: {  	_ =	shalt  }

// kernel: kernel.15.cloned.1.call-start
scs
__scs_entry_jumppad:
0x0: {  	(pc) =	sbr.rel $0x88, $3  }
0x1: {  	(tag) =	ssettag $0x0;
	lr =	simm.s32 $0x1  }
0x2: {  	[smem:$0x3F96] =	sst lr;
	_ =	strace $0xD0000000  }
0x3: {  	_ = 	snop  }
0x4: {  	_ = 	snop  }
0x5: {  	_ = 	snop  }
0x6: {  	_ = 	snop  }
0x7: {  	_ = 	snop  }
__scs_overlays_trampoline_lowered:
0x8: {  	[smem:$0x3FA5] =	sst s0  }
0x9: {  	[smem:$0x3FA6] =	sst s1  }
0xa: {  	[smem:$0x3FA7] =	sst s2  }
0xb: {  	[smem:$0x3FA8] =	sst s3  }
0xc: {  	[smem:$0x3FA9] =	sst s4  }
0xd: {  	[smem:$0x3FAA] =	sst s5  }
0xe: {  	[smem:$0x3FAB] =	sst s6  }
0xf: {  	[smem:$0x3FAC] =	sst s7  }
0x10: {  	[smem:$0x3FAD] =	sst s8  }
0x11: {  	[smem:$0x3FAE] =	sst s9;
	s0 =	simm.s32 @!p0 $0x0  }
0x12: {  	s1 =	sld [smem:$0x3F94];
	s0 =	simm.s32 @p0 $0x1  }
0x13: {  	[smem:$0x3FAF] =	sst s0;
	s0 =	simm.s32 @!p1 $0x0  }
0x14: {  	s2 =	sld [smem:$0x3F93];
	s0 =	simm.s32 @p1 $0x1  }
0x15: {  	[smem:$0x3FB0] =	sst s0;
	s0 =	simm.s32 @!p2 $0x0  }
0x16: {  	s3 =	sld [smem:$0x3FDB];
	s0 =	simm.s32 @p2 $0x1  }
0x17: {  	s4 =	simm.s32 $0x1BF5;
	[smem:$0x3FB2] =	sst s0  }
0x18: {  	s0 =	sld [smem:$0x3F95];
	_ =	swait.ge [sflag:s4], $0x0  }
0x19: {  	s7 =	sld [smem:$0x3F96]  }
0x1a: {  	s8 =	sadd.s32 $0xFFFFE003, lr  }
0x1b: {  	s9 =	sadd.s32 $0xFFFFFEF7, lr;
	s5 =	simm.s32 $0xFFFFFFFF;
	p2 =	slt.u32 s8, $0xFFFFF086  }
0x1c: {  	p1 =	slt.u32 s9, $0xF7A;
	s5 =	simm.s32 @!p2 $0x0  }
0x1d: {  	s5 =	simm.s32 @p1 $0x1;
	p0 =	seq.s32 s7, s2  }
0x1e: {  	s7 =	smul.u32 @!p0 $0xF7A, s2;
	p2 =	seq.s32 @!p0 s5, $0x0  }
0x1f: {  	s9 =	smul.u32 $0xF7A, s1;
	s8 =	simm.s32 @!p0 $0x1BF5;
	p2 =	por !p2, p0  }
0x20: {  	[sflag:s8] =	ssyncset.s32 @!p0 $0xFFFFF086;
	s6 =	sadd.s32 @!p0 s3, s7;
	s7 =	simm.s32 @!p0 $0x108  }
0x21: {  	s3 =	sadd.s32 s3, s9;
	s6 =	sadd.s32 @!p0 $0x88, s6;
	s7 =	simm.s32 @p2 $0x1082  }
0x22: {  	[simem:s7], [sflag:s8] =	dma.local @!p0 [hbm:s6], $0xF7A  }
0x23: {  	s9 =	sor.u32 $0xD0000000, s2;
	s6 =	simm.s32 $0x108;
	_ =	swait.ge @!p0 [sflag:s8], $0x0  }
0x24: {  	s3 =	sadd.s32 $0x88, s3;
	s6 =	simm.s32 @!p1 $0x1082;
	[sflag:s4] =	ssyncset.s32 $0xFFFFF086  }
0x25: {  	[simem:s6], [sflag:s4] =	dma.local [hbm:s3], $0xF7A  }
0x26: {  	[smem:$0x3F96] =	sst s1;
	(tag) =	ssettag s2;
	_ =	strace s9  }
0x27: {  	s1 =	sld [smem:$0x3FA6]  }
0x28: {  	s2 =	sld [smem:$0x3FA7]  }
0x29: {  	s4 =	sld [smem:$0x3FA9]  }
0x2a: {  	p0 =	seq.s32 s5, $0x0;
	s5 =	sld [smem:$0x3FAA]  }
0x2b: {  	s6 =	sld [smem:$0x3FAB]  }
0x2c: {  	s7 =	sld [smem:$0x3FAC]  }
0x2d: {  	s3 =	simm.s32 $0x108;
	s8 =	sld [smem:$0x3FAD]  }
0x2e: {  	s3 =	simm.s32 @!p0 $0x1082;
	s9 =	sld [smem:$0x3FAE]  }
0x2f: {  	lr =	sadd.s32 s0, s3;
	s0 =	sld [smem:$0x3FA5]  }
0x30: {  	s3 =	sld [smem:$0x3FA8]  }
0x31: {  	[smem:$0x3FB1] =	sst s10  }
0x32: {  	s10 =	sld [smem:$0x3FAF];
	_ =	sdelay $0x3  }
0x33: {  	p0 =	seq.s32 s10, $0x1;
	s10 =	sld [smem:$0x3FB1];
	_ =	sdelay $0x3  }
0x34: {  	[smem:$0x3FB1] =	sst s10  }
0x35: {  	s10 =	sld [smem:$0x3FB0];
	_ =	sdelay $0x3  }
0x36: {  	p1 =	seq.s32 s10, $0x1;
	s10 =	sld [smem:$0x3FB1];
	_ =	sdelay $0x3  }
0x37: {  	[smem:$0x3FB1] =	sst s10  }
0x38: {  	s10 =	sld [smem:$0x3FB2]  }
0x39: {  	_ = 	snop;
	(pc) =	sbr.ind lr, $3  }
0x3a: {  	_ = 	snop  }
0x3b: {  	_ = 	snop  }
0x3c: {  	p2 =	seq.s32 s10, $0x1;
	s10 =	sld [smem:$0x3FB1]  }
0x3d: {  	_ =	shalt  }
0x3e: {  	_ =	shalt  }
0x3f: {  	_ =	shalt  }
0x40: {  	_ =	shalt  }
0x41: {  	_ =	shalt  }
0x42: {  	_ =	shalt  }
0x43: {  	_ =	shalt  }
0x44: {  	_ =	shalt  }
0x45: {  	_ =	shalt  }
0x46: {  	_ =	shalt  }
0x47: {  	_ =	shalt  }
0x48: {  	_ =	shalt  }
0x49: {  	_ =	shalt  }
0x4a: {  	_ =	shalt  }
0x4b: {  	_ =	shalt  }
0x4c: {  	_ =	shalt  }
0x4d: {  	_ =	shalt  }
0x4e: {  	_ =	shalt  }
0x4f: {  	_ =	shalt  }
0x50: {  	_ =	shalt  }
0x51: {  	_ =	shalt  }
0x52: {  	_ =	shalt  }
0x53: {  	_ =	shalt  }
0x54: {  	_ =	shalt  }
0x55: {  	_ =	shalt  }
0x56: {  	_ =	shalt  }
0x57: {  	_ =	shalt  }
0x58: {  	_ =	shalt  }
0x59: {  	_ =	shalt  }
0x5a: {  	_ =	shalt  }
0x5b: {  	_ =	shalt  }
0x5c: {  	_ =	shalt  }
0x5d: {  	_ =	shalt  }
0x5e: {  	_ =	shalt  }
0x5f: {  	_ =	shalt  }
0x60: {  	_ =	shalt  }
0x61: {  	_ =	shalt  }
0x62: {  	_ =	shalt  }
0x63: {  	_ =	shalt  }
0x64: {  	_ =	shalt  }
0x65: {  	_ =	shalt  }
0x66: {  	_ =	shalt  }
0x67: {  	_ =	shalt  }
0x68: {  	_ =	shalt  }
0x69: {  	_ =	shalt  }
0x6a: {  	_ =	shalt  }
0x6b: {  	_ =	shalt  }
0x6c: {  	_ =	shalt  }
0x6d: {  	_ =	shalt  }
0x6e: {  	_ =	shalt  }
0x6f: {  	_ =	shalt  }
0x70: {  	_ =	shalt  }
0x71: {  	_ =	shalt  }
0x72: {  	_ =	shalt  }
0x73: {  	_ =	shalt  }
0x74: {  	_ =	shalt  }
0x75: {  	_ =	shalt  }
0x76: {  	_ =	shalt  }
0x77: {  	_ =	shalt  }
0x78: {  	_ =	shalt  }
0x79: {  	_ =	shalt  }
0x7a: {  	_ =	shalt  }
0x7b: {  	_ =	shalt  }
0x7c: {  	_ =	shalt  }
0x7d: {  	_ =	shalt  }
0x7e: {  	_ =	shalt  }
0x7f: {  	_ =	shalt  }
0x80: {  	_ =	shalt  }
0x81: {  	_ =	shalt  }
0x82: {  	_ =	shalt  }
0x83: {  	_ =	shalt  }
0x84: {  	_ =	shalt  }
0x85: {  	_ =	shalt  }
0x86: {  	_ =	shalt  }
0x87: {  	_ =	shalt  }
.Lfunc_end0:
.L_simem_size_0:
called_computation.2_lowered:
.L_overlay_start_0:
0x88: {  	s2 =	sld [smem:$0x3FD9]  }
0x89: {  	s3 =	sld [smem:$0x3FFE];
	_ =	sdelay $0x1  }
0x8a: {  	s1 =	srdreg.scid  }
0x8b: {  	s0 =	sand.u32 $0x1, s1  }
0x8c: {  	s16 =	sshll.u32 s0, $0xA;
	s2 =	sadd.s32 s3, s2  }
0x8d: {  	s2 =	sadd.s32 s2, s16  }
0x8e: {  	[smem:$0x3FBD] =	sst s2  }
0x8f: {  	_ = 	snop  }
0x90: {  	(tm) =	ssettm $0x1  }
0x91: {  	s17 =	sld [smem:$0x3FFB];
	_ =	sdelay $0x3  }
0x92: {  	_ =	strace s17  }
0x93: {  	s2 =	sld [smem:$0x3FFC];
	_ =	sdelay $0x3  }
0x94: {  	_ =	strace s2  }
0x95: {  	s2 =	sld [smem:$0x3FFD];
	_ =	sdelay $0x3  }
0x96: {  	_ =	strace s2  }
0x97: {  	_ =	strace $0x8FFFFFFF  }
0x98: {  	s18 =	sld [smem:$0x3FDB];
	_ =	sdelay $0x1  }
0x99: {  	s19 =	simm.s32 $_scs_section_size  }
0x9a: {  	s4 =	simm.s32 $_size__tile_overlayer_lowered;
	s5 =	simm.s32 $_tile_overlayer_lowered  }
0x9b: {  	s22 =	simm.s32 $0x1BFF;
	s21 =	sshll.u32 s5, $0x1;
	s2 =	sadd.s32 s19, s18  }
0x9c: {  	s6 =	simm.s32 $0x0;
	s20 =	sshll.u32 s4, $0x1;
	s4 =	sadd.s32 s21, s2  }
0x9d: {  	[timem:s6], [sflag:s22] =	dma.local [hbm:s4], s20  }
0x9e: {  	_ =	swait.ge [sflag:s22], s20  }
0x9f: {  	s3 =	ssub.s32 $0x0, s20;
	[sflag:s22] =	ssyncset.done $0x0  }
0xa0: {  	[sflag:s22] =	ssyncadd.s32 s3;
	_ =	sdelay $0x1  }
0xa1: {  	s23 =	simm.s32 $0x1B8B  }
0xa2: {  	_ =	swait.ge [sflag:s23], $0x1  }
0xa3: {  	[sflag:s23] =	ssyncset.done $0x0  }
0xa4: {  	s25 =	simm.s32 $0x1B8E;
	s24 =	sld [smem:$0x3FFE];
	[sflag:s23] =	ssyncadd.s32 $0xFFFFFFFF  }
0xa5: {  	s26 =	simm.s32 $execute0_lowered;
	[smem:$0x3FD2] =	sst s25  }
0xa6: {  	s4 =	sshll.u32 s26, $0x1;
	_ =	strace $0x8000004C;
	[dreg:$0x1] =	wrdreg $0xFFFFFFFF  }
0xa7: {  	s28 =	simm.s32 $_size_execute0_lowered;
	s2 =	sadd.s32 s2, s4;
	[dreg:$0x0] =	wrdreg $0x0  }
0xa8: {  	s4 =	sshll.u32 s28, $0x1;
	[dreg:$0x2] =	wrdreg s2  }
0xa9: {  	[dreg:$0x3] =	wrdreg s4  }
0xaa: {  	[dreg:$0x4] =	wrdreg $0xC0  }
0xab: {  	_ =	task [dreg:s6], $0x5FFFF  }
0xac: {  	[dreg:$0x1] =	wrdreg $0xFFFFFFFF  }
0xad: {  	[dreg:$0x0] =	wrdreg $0x60  }
0xae: {  	[dreg:$0x2] =	wrdreg s24  }
0xaf: {  	[dreg:$0x3] =	wrdreg $0x72000  }
0xb0: {  	[dreg:$0x4] =	wrdreg $0x9  }
0xb1: {  	_ =	task.clear_ibuf [dreg:s6], $0x5FFFF;
	_ =	strace $0x9000004C  }
0xb2: {  	s29 =	simm.s32 $0x9;
	_ =	strace $0x8000004E  }
0xb3: {  	_ =	swait.ge [sflag:s29], $0x1  }
0xb4: {  	[sflag:s29] =	ssyncadd.s32 $0xFFFFFFFF  }
0xb5: {  	_ =	strace $0x9000004E  }
0xb6: {  	_ =	sfence  }
0xb7: {  	s30 =	sld [smem:$0x0];
	_ =	sdelay $0x2  }
0xb8: {  	s31 =	sshll.u32 s1, $0xD;
	s1 =	sshrl.u32 s1, $0x2  }
0xb9: {  	s3 =	sand.u32 $0x4000, s31;
	s1 =	sadd.s32 s1, s30  }
0xba: {  	s0 =	sor.u32 s3, s0;
	s1 =	sshll.u32 s1, $0x11  }
0xbb: {  	s0 =	sor.u32 s1, s0  }
0xbc: {  	s0 =	sadd.s32 $0x8F2B, s0  }
0xbd: {  	[sflag:s0] =	ssyncadd.remote.s32 $0x1  }
0xbe: {  	_ =	sfence.sel $0xFFFF  }
0xbf: {  	[dreg:$0x0] =	wrdreg $0xFFFFFFFF;
	(pc) =	sbr.abs _section_cstart, $3  }
0xc0: {  	[dreg:$0x1] =	wrdreg $0xFFFFFFFF  }
0xc1: {  	_ =	task.clear_ibuf [dreg:s6], $0x2FFFF;
	_ =	strace $0x9FFFFFFF  }
0xc2: {  	(tm) =	ssettm $0x7FFFFFFF  }
0xc3: {  	_ =	shalt  }
tec
execute0_lowered:
.L_overlay_start_1:
0x0: {  	(tag) =	ssettag $0x1  }
0x1: {  	s6 =	rddreg [dreg:$0x0]  }
0x2: {  	s0 =	srdreg.scid;
	s2 =	rddreg [dreg:$0x1]  }
0x3: {  	s3 =	simm.s32 $0x0;
	s14 =	simm.s32 $0x80;
	s15 =	simm.s32 $0x5200  }
0x4: {  	s16 =	simm.s32 $0x1;
	s5 =	sand.u32 $0x1, s0;
	s0 =	stileid.u32  }
0x5: {  	s17 =	simm.s32 $0x0;
	[smem:$0x7FF] =	sst s3;
	s7 =	smul.u32 $0xA000, s0  }
0x6: {  	s1 =	sshll.u32 s5, $0x4;
	s8 =	smul.u32 $0xA0000, s5;
	s5 =	ssub.s32 $0x2, s5  }
0x7: {  	s31 =	sshll.u32 s0, $0x6;
	s1 =	sor.u32 s0, s1;
	s11 =	sshrl.u32 s5, $0x1  }
0x8: {  	s4 =	smul.u32 $0x520, s1;
	s1 =	rddreg [dreg:$0x2];
	_ =	strace $0x8000004D  }
0x9: {  	s8 =	sadd.s32 s7, s8;
	s10 =	sshrl.u32 s7, $0x3;
	s11 =	ssub.s32 s5, s11  }
0xa: {  	s13 =	sadd.s32 s7, s2;
	s8 =	sshrl.u32 s8, $0x3;
	s10 =	sadd.s32 s10, s6  }
0xb: {  	s9 =	sadd.s32 s4, s6;
	s4 =	sadd.s32 $0x75200, s6;
	s12 =	sadd.s32 s8, s6  }
0xc: {  	s5 =	sadd.s32 $0xB1200, s10;
	s6 =	sor.u32 $0x1C02, s31;
	s10 =	smax.u32 s11, $0x1  }
0xd: {  	s11 =	sshrl.u32 s13, $0x3;
	s13 =	simm.s32 $0x2900;
	s7 =	sadd.s32 $0x1AE00, s9  }
0xe: {  	s8 =	sadd.s32 $0x1800, s9;
	s9 =	sadd.s32 $0x89200, s12;
	s12 =	simm.s32 $0x2  }
.LBB2_1:
0xf: {  	[spmem:s11], [sflag:s6] =	dma.local [hbm:s5], $0x1400  }
0x10: {  	_ =	swait.ge [sflag:s12], $0x1400  }
0x11: {  	[sflag:s12] =	ssyncset.done $0x0  }
0x12: {  	[sflag:s12] =	ssyncadd.s32 $0xFFFFEC00  }
0x13: {  	[tilespmem:s3], [sflag:$0x2] =	stream.linear.gather [hbm4b:s7+s3], $0x2900, $0x38;
	[tilespmem:$0x11200] =	vst v63  }
0x14: {  	_ =	swait.ge [sflag:s12], $0x2900  }
0x15: {  	[sflag:s12] =	ssyncset.done $0x0  }
0x16: {  	[sflag:s12] =	ssyncadd.s32 $0xFFFFD700  }
0x17: {  	[tilespmem:s13], [sflag:$0x2] =	stream.linear.gather [hbm4b:s8+s3], $0x2900, $0x38;
	[tilespmem:$0x11200] =	vst v63  }
0x18: {  	_ =	swait.ge [sflag:s12], $0x2900  }
0x19: {  	[sflag:s12] =	ssyncset.done $0x0  }
0x1a: {  	[sflag:s12] =	ssyncadd.s32 $0xFFFFD700  }
0x1b: {  	s18 =	simm.s32 $0x0;
	[bflag:$0x0] =	sbarrier.arrive $0xFFFF  }
0x1c: {  	[tilespmem:s15], [sflag:$0x1] =	stream.indirect.gather [hbm4b:s4+s14], $0x40, s18, s14, $0xb8;
	[tilespmem:$0x11200] =	vst v63  }
0x1d: {  	_ =	swait.ge [sflag:s16], $0x2000  }
0x1e: {  	[sflag:s16] =	ssyncset.done $0x0  }
0x1f: {  	s31 =	simm.s32 $0x2900;
	[sflag:s16] =	ssyncadd.s32 $0xFFFFE000  }
0x20: {  	[spmem:s2] =	stream.indirect.scatter.add.f32 [tilespmem:s15], [sflag:$0x2], $0x40, s31, s14, $0xb8;
	[tilespmem:$0x11200] =	vst v63  }
0x21: {  	_ =	swait.ge [sflag:s12], $0x2000  }
0x22: {  	s19 =	simm.s32 $0x400;
	s18 =	simm.s32 $0x200;
	[sflag:s12] =	ssyncset.done $0x0  }
.LBB2_2:
0x23: {  	s20 =	sshra.s32 s18, $0x2  }
0x24: {  	[sflag:s12] =	ssyncadd.s32 $0xFFFFE000;
	s18 =	smov.u32 s19;
	s21 =	sadd.s32 $0x200, s19  }
0x25: {  	[tilespmem:s15], [sflag:$0x1] =	stream.indirect.gather [hbm4b:s4+s14], $0x40, s20, s14, $0xb8;
	[tilespmem:$0x11200] =	vst v63  }
0x26: {  	p0 =	sne.s32 s19, $0x9E00;
	_ =	swait.ge [sflag:s16], $0x2000  }
.Ltmp0:
0x27: {  	[sflag:s16] =	ssyncset.done $0x0;
	(pc) =	sbr.rel @p0 .LBB2_2-.Ltmp0, $4  }
0x28: {  	s19 =	sadd.s32 $0x2900, s20;
	[sflag:s16] =	ssyncadd.s32 $0xFFFFE000  }
0x29: {  	[spmem:s2] =	stream.indirect.scatter.add.f32 [tilespmem:s15], [sflag:$0x2], $0x40, s19, s14, $0xb8;
	[tilespmem:$0x11200] =	vst v63  }
0x2a: {  	_ =	swait.ge [sflag:s12], $0x2000  }
0x2b: {  	s19 =	smov.u32 s21;
	[sflag:s12] =	ssyncset.done $0x0  }
0x2c: {  	s18 =	sshra.s32 s18, $0x2;
	[sflag:s12] =	ssyncadd.s32 $0xFFFFE000  }
0x2d: {  	[tilespmem:s15], [sflag:$0x1] =	stream.indirect.gather [hbm4b:s4+s14], $0x40, s18, s14, $0xb8;
	[tilespmem:$0x11200] =	vst v63  }
0x2e: {  	_ =	swait.ge [sflag:s16], $0x2000  }
0x2f: {  	[sflag:s16] =	ssyncset.done $0x0  }
0x30: {  	s18 =	sadd.s32 $0x2900, s18;
	[sflag:s16] =	ssyncadd.s32 $0xFFFFE000  }
0x31: {  	[spmem:s2] =	stream.indirect.scatter.add.f32 [tilespmem:s15], [sflag:$0x2], $0x40, s18, s14, $0xb8;
	[tilespmem:$0x11200] =	vst v63  }
0x32: {  	_ =	swait.ge [sflag:s12], $0x2000  }
0x33: {  	s17 =	sadd.s32 $0x1, s17;
	[sflag:s12] =	ssyncset.done $0x0  }
0x34: {  	p0 =	sne.s32 s17, s10;
	[sflag:s12] =	ssyncadd.s32 $0xFFFFE000  }
.Ltmp1:
0x35: {  	[bflag:$0x0] =	sbarrier.arrive $0xFFFF;
	(pc) =	sbr.rel @p0 .LBB2_1-.Ltmp1, $4  }
0x36: {  	[hbm:s9], [sflag:s6] =	dma.local [spmem:s11], $0x1400  }
0x37: {  	_ =	swait.ge [sflag:s12], $0x1400  }
0x38: {  	[sflag:s12] =	ssyncset.done $0x0  }
0x39: {  	[sflag:s12] =	ssyncadd.s32 $0xFFFFEC00  }
0x3a: {  	_ =	sfence.sel $0x180000  }
0x3b: {  	[bflag:$0x0] =	sbarrier.arrive $0xFFFF  }
0x3c: {  	p0 =	sne.s32 s0, $0x0;
	_ =	strace $0x9000004D  }
0x3d: {  	s0 =	sadd.s32 @!p0 $0x100000, s1;
	[bflag:$0x2] =	sbarrier.arrive $0xFFFF  }
0x3e: {  	[sflag:s0] =	ssyncadd.tile.s32 @!p0 $0x1;
	_ =	shalt  }
.Lfunc_end2:
_tile_overlayer_lowered:
.L_overlay_start_2:
0x3f: {  	(tag) =	ssettag $0x2  }
0x40: {  	s0 =	rddreg [dreg:$0x0];
	s2 =	stileid.u32  }
0x41: {  	s1 =	rddreg [dreg:$0x1];
	p0 =	sne.s32 s2, $0x0  }
0x42: {  	s3 =	rddreg [dreg:$0x2];
	[bflag:$0x3] =	sbarrier.arrive $0xFFFF;
	s2 =	simm.s32 @!p0 $0x1C02  }
0x43: {  	[timem:s3], [sflag:s2] =	dma.local @!p0 [hbm:s0], s1  }
0x44: {  	s0 =	simm.s32 @!p0 $0x2  }
0x45: {  	_ =	swait.ge @!p0 [sflag:s0], s1  }
0x46: {  	s1 =	ssub.s32 @!p0 $0x0, s1;
	[sflag:s0] =	ssyncset.done @!p0 $0x0  }
0x47: {  	[sflag:s0] =	ssyncadd.s32 @!p0 s1  }
0x48: {  	[bflag:$0x3] =	sbarrier.arrive $0xFFFF  }
0x49: {  	_ =	shalt  }

// kernel: kernel.9.cloned.1.call-start
scs
__scs_entry_jumppad:
0x0: {  	(pc) =	sbr.rel $0x88, $3  }
0x1: {  	(tag) =	ssettag $0x0;
	lr =	simm.s32 $0x1  }
0x2: {  	[smem:$0x3F96] =	sst lr;
	_ =	strace $0xD0000000  }
0x3: {  	_ = 	snop  }
0x4: {  	_ = 	snop  }
0x5: {  	_ = 	snop  }
0x6: {  	_ = 	snop  }
0x7: {  	_ = 	snop  }
__scs_overlays_trampoline_lowered:
0x8: {  	[smem:$0x3FA5] =	sst s0  }
0x9: {  	[smem:$0x3FA6] =	sst s1  }
0xa: {  	[smem:$0x3FA7] =	sst s2  }
0xb: {  	[smem:$0x3FA8] =	sst s3  }
0xc: {  	[smem:$0x3FA9] =	sst s4  }
0xd: {  	[smem:$0x3FAA] =	sst s5  }
0xe: {  	[smem:$0x3FAB] =	sst s6  }
0xf: {  	[smem:$0x3FAC] =	sst s7  }
0x10: {  	[smem:$0x3FAD] =	sst s8  }
0x11: {  	[smem:$0x3FAE] =	sst s9;
	s0 =	simm.s32 @!p0 $0x0  }
0x12: {  	s1 =	sld [smem:$0x3F94];
	s0 =	simm.s32 @p0 $0x1  }
0x13: {  	[smem:$0x3FAF] =	sst s0;
	s0 =	simm.s32 @!p1 $0x0  }
0x14: {  	s2 =	sld [smem:$0x3F93];
	s0 =	simm.s32 @p1 $0x1  }
0x15: {  	[smem:$0x3FB0] =	sst s0;
	s0 =	simm.s32 @!p2 $0x0  }
0x16: {  	s3 =	sld [smem:$0x3FDB];
	s0 =	simm.s32 @p2 $0x1  }
0x17: {  	s4 =	simm.s32 $0x1BF5;
	[smem:$0x3FB2] =	sst s0  }
0x18: {  	s0 =	sld [smem:$0x3F95];
	_ =	swait.ge [sflag:s4], $0x0  }
0x19: {  	s7 =	sld [smem:$0x3F96]  }
0x1a: {  	s8 =	sadd.s32 $0xFFFFE003, lr  }
0x1b: {  	s9 =	sadd.s32 $0xFFFFFEF7, lr;
	s5 =	simm.s32 $0xFFFFFFFF;
	p2 =	slt.u32 s8, $0xFFFFF086  }
0x1c: {  	p1 =	slt.u32 s9, $0xF7A;
	s5 =	simm.s32 @!p2 $0x0  }
0x1d: {  	s5 =	simm.s32 @p1 $0x1;
	p0 =	seq.s32 s7, s2  }
0x1e: {  	s7 =	smul.u32 @!p0 $0xF7A, s2;
	p2 =	seq.s32 @!p0 s5, $0x0  }
0x1f: {  	s9 =	smul.u32 $0xF7A, s1;
	s8 =	simm.s32 @!p0 $0x1BF5;
	p2 =	por !p2, p0  }
0x20: {  	[sflag:s8] =	ssyncset.s32 @!p0 $0xFFFFF086;
	s6 =	sadd.s32 @!p0 s3, s7;
	s7 =	simm.s32 @!p0 $0x108  }
0x21: {  	s3 =	sadd.s32 s3, s9;
	s6 =	sadd.s32 @!p0 $0x88, s6;
	s7 =	simm.s32 @p2 $0x1082  }
0x22: {  	[simem:s7], [sflag:s8] =	dma.local @!p0 [hbm:s6], $0xF7A  }
0x23: {  	s9 =	sor.u32 $0xD0000000, s2;
	s6 =	simm.s32 $0x108;
	_ =	swait.ge @!p0 [sflag:s8], $0x0  }
0x24: {  	s3 =	sadd.s32 $0x88, s3;
	s6 =	simm.s32 @!p1 $0x1082;
	[sflag:s4] =	ssyncset.s32 $0xFFFFF086  }
0x25: {  	[simem:s6], [sflag:s4] =	dma.local [hbm:s3], $0xF7A  }
0x26: {  	[smem:$0x3F96] =	sst s1;
	(tag) =	ssettag s2;
	_ =	strace s9  }
0x27: {  	s1 =	sld [smem:$0x3FA6]  }
0x28: {  	s2 =	sld [smem:$0x3FA7]  }
0x29: {  	s4 =	sld [smem:$0x3FA9]  }
0x2a: {  	p0 =	seq.s32 s5, $0x0;
	s5 =	sld [smem:$0x3FAA]  }
0x2b: {  	s6 =	sld [smem:$0x3FAB]  }
0x2c: {  	s7 =	sld [smem:$0x3FAC]  }
0x2d: {  	s3 =	simm.s32 $0x108;
	s8 =	sld [smem:$0x3FAD]  }
0x2e: {  	s3 =	simm.s32 @!p0 $0x1082;
	s9 =	sld [smem:$0x3FAE]  }
0x2f: {  	lr =	sadd.s32 s0, s3;
	s0 =	sld [smem:$0x3FA5]  }
0x30: {  	s3 =	sld [smem:$0x3FA8]  }
0x31: {  	[smem:$0x3FB1] =	sst s10  }
0x32: {  	s10 =	sld [smem:$0x3FAF];
	_ =	sdelay $0x3  }
0x33: {  	p0 =	seq.s32 s10, $0x1;
	s10 =	sld [smem:$0x3FB1];
	_ =	sdelay $0x3  }
0x34: {  	[smem:$0x3FB1] =	sst s10  }
0x35: {  	s10 =	sld [smem:$0x3FB0];
	_ =	sdelay $0x3  }
0x36: {  	p1 =	seq.s32 s10, $0x1;
	s10 =	sld [smem:$0x3FB1];
	_ =	sdelay $0x3  }
0x37: {  	[smem:$0x3FB1] =	sst s10  }
0x38: {  	s10 =	sld [smem:$0x3FB2]  }
0x39: {  	_ = 	snop;
	(pc) =	sbr.ind lr, $3  }
0x3a: {  	_ = 	snop  }
0x3b: {  	_ = 	snop  }
0x3c: {  	p2 =	seq.s32 s10, $0x1;
	s10 =	sld [smem:$0x3FB1]  }
0x3d: {  	_ =	shalt  }
0x3e: {  	_ =	shalt  }
0x3f: {  	_ =	shalt  }
0x40: {  	_ =	shalt  }
0x41: {  	_ =	shalt  }
0x42: {  	_ =	shalt  }
0x43: {  	_ =	shalt  }
0x44: {  	_ =	shalt  }
0x45: {  	_ =	shalt  }
0x46: {  	_ =	shalt  }
0x47: {  	_ =	shalt  }
0x48: {  	_ =	shalt  }
0x49: {  	_ =	shalt  }
0x4a: {  	_ =	shalt  }
0x4b: {  	_ =	shalt  }
0x4c: {  	_ =	shalt  }
0x4d: {  	_ =	shalt  }
0x4e: {  	_ =	shalt  }
0x4f: {  	_ =	shalt  }
0x50: {  	_ =	shalt  }
0x51: {  	_ =	shalt  }
0x52: {  	_ =	shalt  }
0x53: {  	_ =	shalt  }
0x54: {  	_ =	shalt  }
0x55: {  	_ =	shalt  }
0x56: {  	_ =	shalt  }
0x57: {  	_ =	shalt  }
0x58: {  	_ =	shalt  }
0x59: {  	_ =	shalt  }
0x5a: {  	_ =	shalt  }
0x5b: {  	_ =	shalt  }
0x5c: {  	_ =	shalt  }
0x5d: {  	_ =	shalt  }
0x5e: {  	_ =	shalt  }
0x5f: {  	_ =	shalt  }
0x60: {  	_ =	shalt  }
0x61: {  	_ =	shalt  }
0x62: {  	_ =	shalt  }
0x63: {  	_ =	shalt  }
0x64: {  	_ =	shalt  }
0x65: {  	_ =	shalt  }
0x66: {  	_ =	shalt  }
0x67: {  	_ =	shalt  }
0x68: {  	_ =	shalt  }
0x69: {  	_ =	shalt  }
0x6a: {  	_ =	shalt  }
0x6b: {  	_ =	shalt  }
0x6c: {  	_ =	shalt  }
0x6d: {  	_ =	shalt  }
0x6e: {  	_ =	shalt  }
0x6f: {  	_ =	shalt  }
0x70: {  	_ =	shalt  }
0x71: {  	_ =	shalt  }
0x72: {  	_ =	shalt  }
0x73: {  	_ =	shalt  }
0x74: {  	_ =	shalt  }
0x75: {  	_ =	shalt  }
0x76: {  	_ =	shalt  }
0x77: {  	_ =	shalt  }
0x78: {  	_ =	shalt  }
0x79: {  	_ =	shalt  }
0x7a: {  	_ =	shalt  }
0x7b: {  	_ =	shalt  }
0x7c: {  	_ =	shalt  }
0x7d: {  	_ =	shalt  }
0x7e: {  	_ =	shalt  }
0x7f: {  	_ =	shalt  }
0x80: {  	_ =	shalt  }
0x81: {  	_ =	shalt  }
0x82: {  	_ =	shalt  }
0x83: {  	_ =	shalt  }
0x84: {  	_ =	shalt  }
0x85: {  	_ =	shalt  }
0x86: {  	_ =	shalt  }
0x87: {  	_ =	shalt  }
.Lfunc_end0:
.L_simem_size_0:
called_computation_lowered:
.L_overlay_start_0:
0x88: {  	s2 =	sld [smem:$0x3FD9]  }
0x89: {  	s3 =	sld [smem:$0x3FFE];
	_ =	sdelay $0x1  }
0x8a: {  	s1 =	srdreg.scid  }
0x8b: {  	s0 =	sand.u32 $0x1, s1  }
0x8c: {  	s16 =	sshll.u32 s0, $0xA;
	s2 =	sadd.s32 s3, s2  }
0x8d: {  	s2 =	sadd.s32 s2, s16  }
0x8e: {  	[smem:$0x3FBD] =	sst s2  }
0x8f: {  	_ = 	snop  }
0x90: {  	(tm) =	ssettm $0x1  }
0x91: {  	s17 =	sld [smem:$0x3FFB];
	_ =	sdelay $0x3  }
0x92: {  	_ =	strace s17  }
0x93: {  	s2 =	sld [smem:$0x3FFC];
	_ =	sdelay $0x3  }
0x94: {  	_ =	strace s2  }
0x95: {  	s2 =	sld [smem:$0x3FFD];
	_ =	sdelay $0x3  }
0x96: {  	_ =	strace s2  }
0x97: {  	_ =	strace $0x8FFFFFFF  }
0x98: {  	s18 =	sld [smem:$0x3FDB];
	_ =	sdelay $0x1  }
0x99: {  	s19 =	simm.s32 $_scs_section_size  }
0x9a: {  	s4 =	simm.s32 $_size__tile_overlayer_lowered;
	s5 =	simm.s32 $_tile_overlayer_lowered  }
0x9b: {  	s22 =	simm.s32 $0x1BFF;
	s21 =	sshll.u32 s5, $0x1;
	s2 =	sadd.s32 s19, s18  }
0x9c: {  	s6 =	simm.s32 $0x0;
	s20 =	sshll.u32 s4, $0x1;
	s4 =	sadd.s32 s21, s2  }
0x9d: {  	[timem:s6], [sflag:s22] =	dma.local [hbm:s4], s20  }
0x9e: {  	_ =	swait.ge [sflag:s22], s20  }
0x9f: {  	s3 =	ssub.s32 $0x0, s20;
	[sflag:s22] =	ssyncset.done $0x0  }
0xa0: {  	[sflag:s22] =	ssyncadd.s32 s3;
	_ =	sdelay $0x1  }
0xa1: {  	s23 =	simm.s32 $0x1B8B  }
0xa2: {  	_ =	swait.ge [sflag:s23], $0x1  }
0xa3: {  	[sflag:s23] =	ssyncset.done $0x0  }
0xa4: {  	s25 =	simm.s32 $0x1B8E;
	s24 =	sld [smem:$0x3FFE];
	[sflag:s23] =	ssyncadd.s32 $0xFFFFFFFF  }
0xa5: {  	s26 =	simm.s32 $execute0_lowered;
	[smem:$0x3FD2] =	sst s25  }
0xa6: {  	s4 =	sshll.u32 s26, $0x1;
	_ =	strace $0x80000046;
	[dreg:$0x1] =	wrdreg $0xFFFFFFFF  }
0xa7: {  	s28 =	simm.s32 $_size_execute0_lowered;
	s2 =	sadd.s32 s2, s4;
	[dreg:$0x0] =	wrdreg $0x0  }
0xa8: {  	s4 =	sshll.u32 s28, $0x1;
	[dreg:$0x2] =	wrdreg s2  }
0xa9: {  	[dreg:$0x3] =	wrdreg s4  }
0xaa: {  	[dreg:$0x4] =	wrdreg $0xC0  }
0xab: {  	_ =	task [dreg:s6], $0x5FFFF  }
0xac: {  	[dreg:$0x1] =	wrdreg $0xFFFFFFFF  }
0xad: {  	[dreg:$0x0] =	wrdreg $0x60  }
0xae: {  	[dreg:$0x2] =	wrdreg s24  }
0xaf: {  	[dreg:$0x3] =	wrdreg $0x31000  }
0xb0: {  	[dreg:$0x4] =	wrdreg $0x9  }
0xb1: {  	_ =	task.clear_ibuf [dreg:s6], $0x5FFFF;
	_ =	strace $0x90000046  }
0xb2: {  	s29 =	simm.s32 $0x9;
	_ =	strace $0x80000048  }
0xb3: {  	_ =	swait.ge [sflag:s29], $0x1  }
0xb4: {  	[sflag:s29] =	ssyncadd.s32 $0xFFFFFFFF  }
0xb5: {  	_ =	strace $0x90000048  }
0xb6: {  	_ =	sfence  }
0xb7: {  	s30 =	sld [smem:$0x0];
	_ =	sdelay $0x2  }
0xb8: {  	s31 =	sshll.u32 s1, $0xD;
	s1 =	sshrl.u32 s1, $0x2  }
0xb9: {  	s3 =	sand.u32 $0x4000, s31;
	s1 =	sadd.s32 s1, s30  }
0xba: {  	s0 =	sor.u32 s3, s0;
	s1 =	sshll.u32 s1, $0x11  }
0xbb: {  	s0 =	sor.u32 s1, s0  }
0xbc: {  	s0 =	sadd.s32 $0x8F2B, s0  }
0xbd: {  	[sflag:s0] =	ssyncadd.remote.s32 $0x1  }
0xbe: {  	_ =	sfence.sel $0xFFFF  }
0xbf: {  	[dreg:$0x0] =	wrdreg $0xFFFFFFFF;
	(pc) =	sbr.abs _section_cstart, $3  }
0xc0: {  	[dreg:$0x1] =	wrdreg $0xFFFFFFFF  }
0xc1: {  	_ =	task.clear_ibuf [dreg:s6], $0x2FFFF;
	_ =	strace $0x9FFFFFFF  }
0xc2: {  	(tm) =	ssettm $0x7FFFFFFF  }
0xc3: {  	_ =	shalt  }
tec
execute0_lowered:
.L_overlay_start_1:
0x0: {  	(tag) =	ssettag $0x1  }
0x1: {  	s6 =	rddreg [dreg:$0x0]  }
0x2: {  	s0 =	srdreg.scid;
	s2 =	rddreg [dreg:$0x1]  }
0x3: {  	s3 =	simm.s32 $0x0;
	s5 =	sand.u32 $0x1, s0;
	s0 =	stileid.u32  }
0x4: {  	s13 =	simm.s32 $0x80;
	s14 =	simm.s32 $0x0;
	s7 =	smul.u32 $0x2800, s0  }
0x5: {  	[smem:$0x7FF] =	sst s3;
	s1 =	sshll.u32 s5, $0x4;
	s8 =	smul.u32 $0x28000, s5  }
0x6: {  	s5 =	ssub.s32 $0x2, s5;
	s31 =	sshll.u32 s0, $0x6;
	s1 =	sor.u32 s0, s1  }
0x7: {  	s11 =	sshrl.u32 s5, $0x1;
	s4 =	smul.u32 $0x520, s1;
	s1 =	rddreg [dreg:$0x2]  }
0x8: {  	_ =	strace $0x80000047;
	s8 =	sadd.s32 s7, s8;
	s10 =	sshrl.u32 s7, $0x3  }
0x9: {  	s11 =	ssub.s32 s5, s11;
	s12 =	sadd.s32 s7, s2;
	s8 =	sshrl.u32 s8, $0x3  }
0xa: {  	s10 =	sadd.s32 s10, s6;
	s9 =	sadd.s32 s4, s6;
	s4 =	sadd.s32 $0x10C00, s6  }
0xb: {  	s8 =	sadd.s32 s8, s6;
	s5 =	sadd.s32 $0xBC00, s10;
	s6 =	sor.u32 $0x1C01, s31  }
0xc: {  	s10 =	sshrl.u32 s12, $0x3;
	s12 =	simm.s32 $0x2900;
	s7 =	sadd.s32 $0x1800, s9  }
0xd: {  	s8 =	sadd.s32 $0x10E00, s8;
	s9 =	smax.u32 s11, $0x1;
	s11 =	simm.s32 $0x1  }
.LBB2_1:
0xe: {  	[spmem:s10], [sflag:s6] =	dma.local [hbm:s5], $0x500  }
0xf: {  	_ =	swait.ge [sflag:s11], $0x500  }
0x10: {  	[sflag:s11] =	ssyncset.done $0x0  }
0x11: {  	[sflag:s11] =	ssyncadd.s32 $0xFFFFFB00  }
0x12: {  	[tilespmem:s12], [sflag:$0x1] =	stream.linear.gather [hbm4b:s4+s3], $0x800, $0x38;
	[tilespmem:$0x5900] =	vst v63  }
0x13: {  	_ =	swait.ge [sflag:s11], $0x800  }
0x14: {  	[sflag:s11] =	ssyncset.done $0x0  }
0x15: {  	[sflag:s11] =	ssyncadd.s32 $0xFFFFF800  }
0x16: {  	[tilespmem:s3], [sflag:$0x1] =	stream.linear.gather [hbm4b:s7+s3], $0x2900, $0x38;
	[tilespmem:$0x5900] =	vst v63  }
0x17: {  	_ =	swait.ge [sflag:s11], $0x2900  }
0x18: {  	[sflag:s11] =	ssyncset.done $0x0  }
0x19: {  	[sflag:s11] =	ssyncadd.s32 $0xFFFFD700  }
0x1a: {  	s15 =	simm.s32 $0x0;
	[bflag:$0x0] =	sbarrier.arrive $0xFFFF  }
0x1b: {  	[spmem:s2] =	stream.indirect.scatter.add.f32 [tilespmem:s12], [sflag:$0x1], $0x10, s15, s13, $0xb8;
	[tilespmem:$0x5900] =	vst v63  }
0x1c: {  	_ =	swait.ge [sflag:s11], $0x800  }
0x1d: {  	s15 =	simm.s32 $0x200;
	[sflag:s11] =	ssyncset.done $0x0  }
.LBB2_2:
0x1e: {  	s16 =	sshra.s32 s15, $0x2;
	[sflag:s11] =	ssyncadd.s32 $0xFFFFF800;
	p0 =	sne.s32 s15, $0x9E00  }
0x1f: {  	[spmem:s2] =	stream.indirect.scatter.add.f32 [tilespmem:s12], [sflag:$0x1], $0x10, s16, s13, $0xb8;
	[tilespmem:$0x5900] =	vst v63  }
.Ltmp0:
0x20: {  	_ = 	snop;
	(pc) =	sbr.rel @p0 .LBB2_2-.Ltmp0, $4  }
0x21: {  	_ = 	snop  }
0x22: {  	s15 =	sadd.s32 $0x200, s15  }
0x23: {  	_ =	swait.ge [sflag:s11], $0x800  }
0x24: {  	[sflag:s11] =	ssyncset.done $0x0  }
0x25: {  	s14 =	sadd.s32 $0x1, s14  }
0x26: {  	[sflag:s11] =	ssyncadd.s32 $0xFFFFF800;
	p0 =	sne.s32 s14, s9  }
.Ltmp1:
0x27: {  	[bflag:$0x0] =	sbarrier.arrive $0xFFFF;
	(pc) =	sbr.rel @p0 .LBB2_1-.Ltmp1, $4  }
0x28: {  	[hbm:s8], [sflag:s6] =	dma.local [spmem:s10], $0x500  }
0x29: {  	_ =	swait.ge [sflag:s11], $0x500  }
0x2a: {  	[sflag:s11] =	ssyncset.done $0x0  }
0x2b: {  	[sflag:s11] =	ssyncadd.s32 $0xFFFFFB00  }
0x2c: {  	_ =	sfence.sel $0x180000  }
0x2d: {  	[bflag:$0x0] =	sbarrier.arrive $0xFFFF  }
0x2e: {  	p0 =	sne.s32 s0, $0x0;
	_ =	strace $0x90000047  }
0x2f: {  	s0 =	sadd.s32 @!p0 $0x100000, s1;
	[bflag:$0x2] =	sbarrier.arrive $0xFFFF  }
0x30: {  	[sflag:s0] =	ssyncadd.tile.s32 @!p0 $0x1;
	_ =	shalt  }
.Lfunc_end2:
_tile_overlayer_lowered:
.L_overlay_start_2:
0x31: {  	(tag) =	ssettag $0x2  }
0x32: {  	s0 =	rddreg [dreg:$0x0];
	s2 =	stileid.u32  }
0x33: {  	s1 =	rddreg [dreg:$0x1];
	p0 =	sne.s32 s2, $0x0  }
0x34: {  	s3 =	rddreg [dreg:$0x2];
	[bflag:$0x3] =	sbarrier.arrive $0xFFFF;
	s2 =	simm.s32 @!p0 $0x1C01  }
0x35: {  	[timem:s3], [sflag:s2] =	dma.local @!p0 [hbm:s0], s1  }
0x36: {  	s0 =	simm.s32 @!p0 $0x1  }
0x37: {  	_ =	swait.ge @!p0 [sflag:s0], s1  }
0x38: {  	s1 =	ssub.s32 @!p0 $0x0, s1;
	[sflag:s0] =	ssyncset.done @!p0 $0x0  }
0x39: {  	[sflag:s0] =	ssyncadd.s32 @!p0 s1  }
0x3a: {  	[bflag:$0x3] =	sbarrier.arrive $0xFFFF  }
0x3b: {  	_ =	shalt  }

</sc_bundles>
